<compile_context>
chip_gen: v7x
topology: tpu7x:2x2x1
jax: 0.10.2.dev20260603
libtpu: 0.0.44.dev20260713+nightly
codegen_flags: <defaults>
</compile_context>

<pallas_src>
import functools

import jax
import jax.numpy as jnp
from jax import lax
from jax.experimental import pallas as pl
from jax.experimental.pallas import tpu as pltpu
from jax.experimental.pallas import tpu_sc as plsc

N = 10000
D = 128
E = 320000
RB = 1000
NT = 32
NSUB = 16
EPT = E // NT
CH = 80
NCH = EPT // CH
SG = 25
NGRP = NCH // SG
WSW = 16
NP = 10240
RPT = NP // NSUB
ZR = 128



def _mm_relu_body(h_ref, w_ref, b_ref, o_ref):
    acc = jnp.dot(h_ref[...], w_ref[...], preferred_element_type=jnp.float32)
    o_ref[...] = jax.nn.relu(acc + b_ref[...])


def _mm_relu(h, w, b):
    n = h.shape[0]
    return pl.pallas_call(
        _mm_relu_body,
        grid=(n // RB,),
        in_specs=[
            pl.BlockSpec((RB, D), lambda i: (i, 0)),
            pl.BlockSpec((D, D), lambda i: (0, 0)),
            pl.BlockSpec((1, D), lambda i: (0, 0)),
        ],
        out_specs=pl.BlockSpec((RB, D), lambda i: (i, 0)),
        out_shape=jax.ShapeDtypeStruct((n, D), jnp.float32),
    )(h, w, b.reshape(1, D))


def _combine_z(a0_ref, a1_ref, w0_ref, w1_ref, h_ref, wt_ref, wb_ref, b_ref):
    nagg = a0_ref[...] + a1_ref[...]
    ws = jnp.sum(w0_ref[...] + w1_ref[...], axis=1, keepdims=True)
    ws = jnp.clip(ws, 1.0, None)
    z = jnp.dot(nagg / ws, wt_ref[...], preferred_element_type=jnp.float32)
    z = z + jnp.dot(h_ref[...], wb_ref[...], preferred_element_type=jnp.float32)
    z = jax.nn.relu(z + b_ref[...])
    zn = jnp.sqrt(jnp.sum(z * z, axis=1, keepdims=True))
    zn = jnp.where(zn == 0.0, 1.0, zn)
    return z / zn


def _combine_body(a0_ref, a1_ref, w0_ref, w1_ref, h_ref, wt_ref, wb_ref,
                  b_ref, add_ref, o_ref):
    o_ref[...] = _combine_z(a0_ref, a1_ref, w0_ref, w1_ref, h_ref, wt_ref,
                            wb_ref, b_ref) + add_ref[...]


def _combine_mm_body(a0_ref, a1_ref, w0_ref, w1_ref, h_ref, wt_ref, wb_ref,
                     b_ref, qw_ref, qb_ref, o_ref, n_ref):
    hn = _combine_z(a0_ref, a1_ref, w0_ref, w1_ref, h_ref, wt_ref,
                    wb_ref, b_ref)
    o_ref[...] = hn
    acc = jnp.dot(hn, qw_ref[...], preferred_element_type=jnp.float32)
    n_ref[...] = jax.nn.relu(acc + qb_ref[...])


def _combine(a0, a1, w0, w1, h, Ww, Wb, add):
    nb = N // RB
    return pl.pallas_call(
        _combine_body,
        grid=(nb,),
        in_specs=[
            pl.BlockSpec((RB, D), lambda i: (i, 0)),
            pl.BlockSpec((RB, D), lambda i: (i, 0)),
            pl.BlockSpec((RB, WSW), lambda i: (i, 0)),
            pl.BlockSpec((RB, WSW), lambda i: (i, 0)),
            pl.BlockSpec((RB, D), lambda i: (i, 0)),
            pl.BlockSpec((D, D), lambda i: (0, 0)),
            pl.BlockSpec((D, D), lambda i: (0, 0)),
            pl.BlockSpec((1, D), lambda i: (0, 0)),
            pl.BlockSpec((RB, D), lambda i: (i, 0)),
        ],
        out_specs=pl.BlockSpec((RB, D), lambda i: (i, 0)),
        out_shape=jax.ShapeDtypeStruct((N, D), jnp.float32),
    )(a0, a1, w0, w1, h, Ww[:D], Ww[D:], Wb.reshape(1, D), add)


def _combine_mm(a0, a1, w0, w1, h, Ww, Wb, Qw, Qb):
    nb = N // RB
    return pl.pallas_call(
        _combine_mm_body,
        grid=(nb,),
        in_specs=[
            pl.BlockSpec((RB, D), lambda i: (i, 0)),
            pl.BlockSpec((RB, D), lambda i: (i, 0)),
            pl.BlockSpec((RB, WSW), lambda i: (i, 0)),
            pl.BlockSpec((RB, WSW), lambda i: (i, 0)),
            pl.BlockSpec((RB, D), lambda i: (i, 0)),
            pl.BlockSpec((D, D), lambda i: (0, 0)),
            pl.BlockSpec((D, D), lambda i: (0, 0)),
            pl.BlockSpec((1, D), lambda i: (0, 0)),
            pl.BlockSpec((D, D), lambda i: (0, 0)),
            pl.BlockSpec((1, D), lambda i: (0, 0)),
        ],
        out_specs=[
            pl.BlockSpec((RB, D), lambda i: (i, 0)),
            pl.BlockSpec((RB, D), lambda i: (i, 0)),
        ],
        out_shape=[
            jax.ShapeDtypeStruct((N, D), jnp.float32),
            jax.ShapeDtypeStruct((N, D), jnp.float32),
        ],
    )(a0, a1, w0, w1, h, Ww[:D], Ww[D:], Wb.reshape(1, D), Qw,
      Qb.reshape(1, D))



def _perm_lanes(v, idx):
    return lax.gather(
        v, idx,
        dimension_numbers=lax.GatherDimensionNumbers(
            offset_dims=(), collapsed_slice_dims=(0,), start_index_map=(0,)),
        slice_sizes=(1,),
        mode=lax.GatherScatterMode.PROMISE_IN_BOUNDS)


def _splat_lane(v, e):
    return _perm_lanes(v, jnp.full((16, 1), e, jnp.int32))


def _hsum_lanes(v, lane_iota):
    for m in (8, 4, 2, 1):
        v = v + _perm_lanes(v, (lane_iota ^ m)[:, None])
    return v

def _edge_body(nsrc_hbm, src_hbm, dst_hbm, w_hbm, acc_out, ws_out,
               src_v, dst_v, w_v, rows0, rows1, rows2, wblk_v,
               acc_sh, ws_sh, gsem, ssem, wsem):
    c = lax.axis_index("c")
    s = lax.axis_index("s")
    t = c * NSUB + s
    zero16 = jnp.zeros((16,), jnp.float32)
    lane_iota = lax.iota(jnp.int32, 16)
    rowsb = [rows0, rows1, rows2]

    def _zrow(i, _):
        for dd in range(D // 16):
            rows0[i, pl.ds(dd * 16, 16)] = zero16
        wblk_v[i, :] = zero16
        return 0
    lax.fori_loop(0, CH, _zrow, 0)

    for k in range(RPT // CH):
        pltpu.sync_copy(rows0, acc_sh.at[pl.ds(s * RPT + k * CH, CH)])
        pltpu.sync_copy(wblk_v, ws_sh.at[pl.ds(s * RPT + k * CH, CH)])

    plsc.subcore_barrier()

    def _scale(rows, cc):
        def _sixteen(g, _):
            wv = w_v[cc, pl.ds(g * 16, 16)]
            for e in range(16):
                r = g * 16 + e
                wsp = _splat_lane(wv, e)
                wblk_v[r, :] = jnp.where(lane_iota == 0, wsp, 0.0)
                for dd in range(D // 16):
                    sl = pl.ds(dd * 16, 16)
                    rows[r, sl] = rows[r, sl] * wsp
            return 0
        lax.fori_loop(0, CH // 16, _sixteen, 0)

    def _substep(cc, b, bn, issue_next, wait_ssem, wait_wsem=True):
        rows = rowsb[b]
        pltpu.make_async_copy(nsrc_hbm.at[src_v.at[cc]], rows, gsem.at[b]).wait()
        if wait_wsem:
            pltpu.make_async_copy(wblk_v, ws_sh.at[dst_v.at[0]], wsem).wait()
        _scale(rows, cc)
        pltpu.async_copy(wblk_v, ws_sh.at[dst_v.at[cc]], wsem, add=True)
        if issue_next:
            if wait_ssem:
                pltpu.make_async_copy(
                    rowsb[bn], acc_sh.at[dst_v.at[0]], ssem.at[bn]).wait()
            pltpu.async_copy(nsrc_hbm.at[src_v.at[cc + 2]], rowsb[bn],
                             gsem.at[bn])
        pltpu.async_copy(rows, acc_sh.at[dst_v.at[cc]], ssem.at[b], add=True)

    def _group(g, _):
        base = t * NGRP + g
        pltpu.sync_copy(src_hbm.at[base], src_v)
        pltpu.sync_copy(dst_hbm.at[base], dst_v)
        pltpu.sync_copy(w_hbm.at[base], w_v)
        pltpu.async_copy(nsrc_hbm.at[src_v.at[0]], rowsb[0], gsem.at[0])
        pltpu.async_copy(nsrc_hbm.at[src_v.at[1]], rowsb[1], gsem.at[1])
        _substep(0, 0, 2, True, False, wait_wsem=False)

        def _triple(jj, _):
            cb = 3 * jj
            _substep(cb + 1, 1, 0, True, True)
            _substep(cb + 2, 2, 1, True, True)
            _substep(cb + 3, 0, 2, True, True)
            return 0
        lax.fori_loop(0, 7, _triple, 0)

        _substep(SG - 3, 1, 0, True, True)
        _substep(SG - 2, 2, 1, False, False)
        _substep(SG - 1, 0, 2, False, False)
        for b in range(3):
            pltpu.make_async_copy(
                rowsb[b], acc_sh.at[dst_v.at[0]], ssem.at[b]).wait()
        pltpu.make_async_copy(wblk_v, ws_sh.at[dst_v.at[0]], wsem).wait()
        return 0

    lax.fori_loop(0, NGRP, _group, 0)

    plsc.subcore_barrier()

    for k in range(RPT // CH):
        pltpu.sync_copy(acc_sh.at[pl.ds(s * RPT + k * CH, CH)], rows0)
        pltpu.sync_copy(rows0, acc_out.at[pl.ds(c * NP + s * RPT + k * CH, CH)])
        pltpu.sync_copy(ws_sh.at[pl.ds(s * RPT + k * CH, CH)], wblk_v)
        pltpu.sync_copy(wblk_v, ws_out.at[pl.ds(c * NP + s * RPT + k * CH, CH)])


@jax.jit
def _edge_agg(n_src, src_r, dst_r, w_r):
    mesh = plsc.VectorSubcoreMesh(core_axis_name="c", subcore_axis_name="s")
    f = pl.kernel(
        _edge_body,
        out_type=(
            jax.ShapeDtypeStruct((2 * NP, D), jnp.float32),
            jax.ShapeDtypeStruct((2 * NP, WSW), jnp.float32),
        ),
        mesh=mesh,
        scratch_types=[
            pltpu.VMEM((SG, CH), jnp.int32),
            pltpu.VMEM((SG, CH), jnp.int32),
            pltpu.VMEM((SG, CH), jnp.float32),
            pltpu.VMEM((CH, D), jnp.float32),
            pltpu.VMEM((CH, D), jnp.float32),
            pltpu.VMEM((CH, D), jnp.float32),
            pltpu.VMEM((CH, WSW), jnp.float32),
            pltpu.VMEM_SHARED((NP, D), jnp.float32),
            pltpu.VMEM_SHARED((NP, WSW), jnp.float32),
            pltpu.SemaphoreType.DMA((3,)),
            pltpu.SemaphoreType.DMA((3,)),
            pltpu.SemaphoreType.DMA,
        ],
        compiler_params=pltpu.CompilerParams(use_tc_tiling_on_sc=False),
    )
    return f(n_src, src_r, dst_r, w_r)



NCK = 5
CS = NP // NT // NCK


def _gather_body(emb_hbm, bias_hbm, nids_hbm, h0_out, bn_out,
                 nids_v, r0, r1, r2, r3, r4, b_v, gsem, bsem):
    c = lax.axis_index("c")
    s = lax.axis_index("s")
    t = c * NSUB + s
    rbufs = [r0, r1, r2, r3, r4]
    pltpu.sync_copy(nids_hbm.at[t], nids_v)
    for k in range(NCK):
        pltpu.async_copy(emb_hbm.at[nids_v.at[k]], rbufs[k], gsem)
        pltpu.async_copy(bias_hbm.at[nids_v.at[k]], b_v.at[k], bsem)
    for k in range(NCK):
        pltpu.make_async_copy(emb_hbm.at[nids_v.at[k]], rbufs[k], gsem).wait()
        pltpu.sync_copy(rbufs[k], h0_out.at[pl.ds(t * NCK * CS + k * CS, CS)])
    for k in range(NCK):
        pltpu.make_async_copy(bias_hbm.at[nids_v.at[k]], b_v.at[k], bsem).wait()
    pltpu.sync_copy(b_v, bn_out.at[pl.ds(t * NCK, NCK)])


@jax.jit
def _gather_h0(emb_table, bias1d, nids_p):
    mesh = plsc.VectorSubcoreMesh(core_axis_name="c", subcore_axis_name="s")
    f = pl.kernel(
        _gather_body,
        out_type=(
            jax.ShapeDtypeStruct((NP, D), jnp.float32),
            jax.ShapeDtypeStruct((NP // CS, CS), jnp.float32),
        ),
        mesh=mesh,
        scratch_types=[
            pltpu.VMEM((NCK, CS), jnp.int32),
            pltpu.VMEM((CS, D), jnp.float32),
            pltpu.VMEM((CS, D), jnp.float32),
            pltpu.VMEM((CS, D), jnp.float32),
            pltpu.VMEM((CS, D), jnp.float32),
            pltpu.VMEM((CS, D), jnp.float32),
            pltpu.VMEM((NCK, CS), jnp.float32),
            pltpu.SemaphoreType.DMA,
            pltpu.SemaphoreType.DMA,
        ],
        compiler_params=pltpu.CompilerParams(use_tc_tiling_on_sc=False),
    )
    return f(emb_table, bias1d, nids_p)



def _score_body(hitem_hbm, bn_hbm, e0_hbm, e1_hbm, out_hbm,
                e0_v, e1_v, u0, v0, u1, v1, b0_v, b1_v, out_v, gsem, bsem):
    c = lax.axis_index("c")
    s = lax.axis_index("s")
    t = c * NSUB + s
    lane_iota = lax.iota(jnp.int32, 16)
    ubufs = [u0, u1]
    vbufs = [v0, v1]
    pltpu.sync_copy(e0_hbm.at[t], e0_v)
    pltpu.sync_copy(e1_hbm.at[t], e1_v)
    for k in range(NCK):
        pltpu.async_copy(bn_hbm.at[e0_v.at[k]], b0_v.at[k], bsem)
        pltpu.async_copy(bn_hbm.at[e1_v.at[k]], b1_v.at[k], bsem)
    pltpu.async_copy(hitem_hbm.at[e0_v.at[0]], ubufs[0], gsem)
    pltpu.async_copy(hitem_hbm.at[e1_v.at[0]], vbufs[0], gsem)
    for k in range(NCK):
        pltpu.make_async_copy(bn_hbm.at[e0_v.at[k]], b0_v.at[k], bsem).wait()
        pltpu.make_async_copy(bn_hbm.at[e1_v.at[k]], b1_v.at[k], bsem).wait()
    for k in range(NCK):
        bb = k % 2
        u, v = ubufs[bb], vbufs[bb]
        pltpu.make_async_copy(hitem_hbm.at[e0_v.at[k]], u, gsem).wait()
        pltpu.make_async_copy(hitem_hbm.at[e1_v.at[k]], v, gsem).wait()
        if k + 1 < NCK:
            nb = (k + 1) % 2
            pltpu.async_copy(hitem_hbm.at[e0_v.at[k + 1]], ubufs[nb], gsem)
            pltpu.async_copy(hitem_hbm.at[e1_v.at[k + 1]], vbufs[nb], gsem)

        def _grp16(g, _):
            res = jnp.zeros((16,), jnp.float32)
            for e in range(16):
                p = g * 16 + e
                acc = u[p, pl.ds(0, 16)] * v[p, pl.ds(0, 16)]
                for dd in range(1, D // 16):
                    sl = pl.ds(dd * 16, 16)
                    acc = acc + u[p, sl] * v[p, sl]
                sval = _hsum_lanes(acc, lane_iota)
                res = jnp.where(lane_iota == e, sval, res)
            sl16 = pl.ds(g * 16, 16)
            out_v[sl16] = res + b0_v[k, sl16] + b1_v[k, sl16]
            return 0
        lax.fori_loop(0, 8, _grp16, 0)
        pltpu.sync_copy(out_v, out_hbm.at[pl.ds(t * 640 + k * 128, 128)])


@jax.jit
def _score_edges(h_item, bn, e0r, e1r):
    mesh = plsc.VectorSubcoreMesh(core_axis_name="c", subcore_axis_name="s")
    f = pl.kernel(
        _score_body,
        out_type=jax.ShapeDtypeStruct((2 * NP,), jnp.float32),
        mesh=mesh,
        scratch_types=[
            pltpu.VMEM((NCK, 128), jnp.int32),
            pltpu.VMEM((NCK, 128), jnp.int32),
            pltpu.VMEM((128, D), jnp.float32),
            pltpu.VMEM((128, D), jnp.float32),
            pltpu.VMEM((128, D), jnp.float32),
            pltpu.VMEM((128, D), jnp.float32),
            pltpu.VMEM((NCK, 128), jnp.float32),
            pltpu.VMEM((NCK, 128), jnp.float32),
            pltpu.VMEM((128,), jnp.float32),
            pltpu.SemaphoreType.DMA,
            pltpu.SemaphoreType.DMA,
        ],
        compiler_params=pltpu.CompilerParams(use_tc_tiling_on_sc=False),
    )
    return f(h_item, bn, e0r, e1r)


def kernel(nids, edge_index1, weights1, edge_index2, weights2, pos_edges, neg_edges,
           emb_table, bias, Q1w, Q1b, W1w, W1b, Q2w, Q2b, W2w, W2b):
    nids_p = jnp.concatenate(
        [nids.astype(jnp.int32), jnp.zeros((NP - N,), jnp.int32)]
    ).reshape(NT, NCK, CS)
    h0p, bn2 = _gather_h0(emb_table, bias.reshape(N), nids_p)

    esh = (NT * NGRP, SG, CH)
    s1, d1 = edge_index1[0].reshape(esh), edge_index1[1].reshape(esh)
    s2, d2 = edge_index2[0].reshape(esh), edge_index2[1].reshape(esh)
    w1r = weights1.reshape(esh)
    w2r = weights2.reshape(esh)

    nsrc1 = _mm_relu(h0p, Q1w, Q1b)
    acc2, ws2 = _edge_agg(nsrc1, s1, d1, w1r)
    a = acc2.reshape(2, NP, D)
    w = ws2.reshape(2, NP, WSW)
    h1, nsrc2 = _combine_mm(a[0], a[1], w[0], w[1], h0p, W1w, W1b, Q2w, Q2b)
    acc2b, ws2b = _edge_agg(nsrc2, s2, d2, w2r)
    ab = acc2b.reshape(2, NP, D)
    wb = ws2b.reshape(2, NP, WSW)
    h_item = _combine(ab[0], ab[1], wb[0], wb[1], h1, W2w, W2b, h0p)

    P = pos_edges.shape[1]
    ep = jnp.concatenate([pos_edges, neg_edges], axis=1).astype(jnp.int32)
    ep = jnp.concatenate(
        [ep, jnp.zeros((2, 2 * NP - 2 * P), jnp.int32)], axis=1)
    e0r = ep[0].reshape(NT, NCK, 128)
    e1r = ep[1].reshape(NT, NCK, 128)
    scores = _score_edges(h_item, bn2.reshape(NP), e0r, e1r)
    return scores[:2 * P, None]

# --- scband reference (transcript-rebuilt; emitter-appended) ---
"""Pipeline reference for scband-pin-sage-20779051778133 (READ-ONLY COPY).

The authoritative reference and input builder live on the scoring server;
editing this copy changes nothing except your own understanding.
"""

import jax, jax.numpy as jnp
import numpy as np

N = 10000
E = 320000
D = 128
P = 10000


def _sage_conv(h_src, h_dst, src, dst, w, Qw, Qb, Ww, Wb, num_dst):
    # WeightedSAGEConv (dropout is identity in eval mode)
    n_src = jax.nn.relu(h_src @ Qw + Qb)
    m = n_src[src] * w[:, None]              # u_mul_e
    n = jax.ops.segment_sum(m, dst, num_segments=num_dst)   # sum over incoming edges
    ws = jnp.clip(jax.ops.segment_sum(w, dst, num_segments=num_dst), 1.0, None)[:, None]
    z = jax.nn.relu(jnp.concatenate([n / ws, h_dst], axis=1) @ Ww + Wb)
    zn = jnp.linalg.norm(z, axis=1, keepdims=True)
    zn = jnp.where(zn == 0.0, 1.0, zn)
    return z / zn


def setup_inputs(seed: int = 0):
    key = jax.random.key(seed)
    ks = jax.random.split(key, 16)
    inp = {}
    inp['nids'] = jax.random.randint(ks[0], (N,), 0, N)
    inp['edge_index1'] = jax.random.randint(ks[1], (2, E), 0, N)
    inp['weights1'] = jax.random.uniform(ks[2], (E,), dtype=jnp.float32)
    inp['edge_index2'] = jax.random.randint(ks[3], (2, E), 0, N)
    inp['weights2'] = jax.random.uniform(ks[4], (E,), dtype=jnp.float32)
    inp['pos_edges'] = jax.random.randint(ks[5], (2, P), 0, N)
    inp['neg_edges'] = jax.random.randint(ks[6], (2, P), 0, N)
    # learned parameters
    inp['emb_table'] = jax.random.normal(ks[7], (N, D), dtype=jnp.float32) * 0.05  # item_embedding
    inp['bias'] = jnp.zeros((N, 1), dtype=jnp.float32)                             # ItemToItemScorer bias
    inp['Q1w'] = jax.random.normal(ks[8], (D, D), dtype=jnp.float32) * 0.05
    inp['Q1b'] = jnp.zeros((D,), dtype=jnp.float32)
    inp['W1w'] = jax.random.normal(ks[9], (2 * D, D), dtype=jnp.float32) * 0.05
    inp['W1b'] = jnp.zeros((D,), dtype=jnp.float32)
    inp['Q2w'] = jax.random.normal(ks[10], (D, D), dtype=jnp.float32) * 0.05
    inp['Q2b'] = jnp.zeros((D,), dtype=jnp.float32)
    inp['W2w'] = jax.random.normal(ks[11], (2 * D, D), dtype=jnp.float32) * 0.05
    inp['W2b'] = jnp.zeros((D,), dtype=jnp.float32)
    return inp


def reference(nids, edge_index1, weights1, edge_index2, weights2, pos_edges, neg_edges,
              emb_table, bias, Q1w, Q1b, W1w, W1b, Q2w, Q2b, W2w, W2b):
    # get_embedding with use_feature_embedding=False
    h = jnp.take(emb_table, nids, axis=0)                     # h_item = item_embedding(blocks[0].srcdata[NID])
    h = _sage_conv(h, h, edge_index1[0], edge_index1[1], weights1, Q1w, Q1b, W1w, W1b, N)
    h = _sage_conv(h, h, edge_index2[0], edge_index2[1], weights2, Q2w, Q2b, W2w, W2b, N)
    h_item = jnp.take(emb_table, nids, axis=0) + h            # h_item_dst + sage(blocks, h_item)
    def _score(edges):
        # u_dot_v plus per-node bias lookups (ItemToItemScorer)
        s = jnp.sum(h_item[edges[0]] * h_item[edges[1]], axis=1, keepdims=True)
        return s + bias[nids[edges[0]]] + bias[nids[edges[1]]]
    pos_score = _score(pos_edges)
    neg_score = _score(neg_edges)
    return jnp.concatenate([pos_score, neg_score], axis=0)

if __name__ == "__main__":
    import jax
    _d = setup_inputs()
    print(jax.jit(kernel)(*tuple(_d.values())))

</pallas_src>

<mosaic_0001>
#map = affine_map<(d0, d1) -> (0, 0)>
#map1 = affine_map<(d0, d1) -> (0)>
#map2 = affine_map<(d0, d1) -> (0, 0, 0)>
module attributes {stable_mosaic.version = 14 : i64} {
  func.func @_gather_body(%arg0: i32, %arg1: i32, %arg2: memref<10000x128xf32, #tpu.memory_space<hbm>>, %arg3: memref<10000xf32, #tpu.memory_space<hbm>>, %arg4: memref<32x5x64xi32, #tpu.memory_space<hbm>>, %arg5: memref<10240x128xf32, #tpu.memory_space<hbm>>, %arg6: memref<160x64xf32, #tpu.memory_space<hbm>>, %arg7: memref<5x64xi32, #tpu.memory_space<vmem>>, %arg8: memref<64x128xf32, #tpu.memory_space<vmem>>, %arg9: memref<64x128xf32, #tpu.memory_space<vmem>>, %arg10: memref<64x128xf32, #tpu.memory_space<vmem>>, %arg11: memref<64x128xf32, #tpu.memory_space<vmem>>, %arg12: memref<64x128xf32, #tpu.memory_space<vmem>>, %arg13: memref<5x64xf32, #tpu.memory_space<vmem>>, %arg14: memref<!tpu.dma_semaphore, #tpu.memory_space<semaphore_mem>>, %arg15: memref<!tpu.dma_semaphore, #tpu.memory_space<semaphore_mem>>) attributes {dimension_semantics = [#tpu.dimension_semantics<core_parallel>, #tpu.dimension_semantics<subcore_parallel>], iteration_bounds = array<i64: 2, 16>, scalar_prefetch = 0 : i64, scratch_operands = 9 : i64, tpu.core_type = #tpu.core_type<sc_vector_subcore>, window_params = [{transform_indices = #map}, {transform_indices = #map1}, {transform_indices = #map2}, {transform_indices = #map}, {transform_indices = #map}]} {
    %mul3A = arith.constant 16 : i32
    %mul3A_0 = arith.muli %arg0, %mul3A : i32
    %add3A = arith.addi %mul3A_0, %arg1 : i32
    "tpu.region"() ({
      %run_scoped3A = tpu.sem_alloc : memref<!tpu.dma_semaphore, #tpu.memory_space<semaphore_mem>>
      %dma_start3A_201 = arith.constant 0 : i32
      %dma_start3A_202 = arith.constant 0 : i32
      %dma_start3A_203 = tpu.memref_slice %arg4[%add3A, %dma_start3A_201, %dma_start3A_202] : memref<32x5x64xi32, #tpu.memory_space<hbm>> -> memref<1x5x64xi32, #tpu.memory_space<hbm>>
      %dma_start3A_204 = tpu.memref_squeeze %dma_start3A_203 : memref<1x5x64xi32, #tpu.memory_space<hbm>> -> memref<5x64xi32, #tpu.memory_space<hbm>>
      %dma_start3A_205 = arith.constant 0 : i32
      %dma_start3A_206 = arith.constant 0 : i32
      %dma_start3A_207 = tpu.memref_slice %arg4[%add3A, %dma_start3A_205, %dma_start3A_206] : memref<32x5x64xi32, #tpu.memory_space<hbm>> -> memref<1x5x64xi32, #tpu.memory_space<hbm>>
      %dma_start3A_208 = tpu.memref_squeeze %dma_start3A_207 : memref<1x5x64xi32, #tpu.memory_space<hbm>> -> memref<5x64xi32, #tpu.memory_space<hbm>>
      tpu.enqueue_dma source(%dma_start3A_208 : memref<5x64xi32, #tpu.memory_space<hbm>>) target(%arg7 : memref<5x64xi32, #tpu.memory_space<vmem>>) target_semaphore(%run_scoped3A : memref<!tpu.dma_semaphore, #tpu.memory_space<semaphore_mem>>)
      %dma_wait3A_209 = arith.constant 0 : i32
      %dma_wait3A_210 = arith.constant 0 : i32
      %dma_wait3A_211 = tpu.memref_slice %arg4[%add3A, %dma_wait3A_209, %dma_wait3A_210] : memref<32x5x64xi32, #tpu.memory_space<hbm>> -> memref<1x5x64xi32, #tpu.memory_space<hbm>>
      %dma_wait3A_212 = tpu.memref_squeeze %dma_wait3A_211 : memref<1x5x64xi32, #tpu.memory_space<hbm>> -> memref<5x64xi32, #tpu.memory_space<hbm>>
      %dma_wait3A_213 = arith.constant 0 : i32
      %dma_wait3A_214 = arith.constant 0 : i32
      %dma_wait3A_215 = tpu.memref_slice %arg4[%add3A, %dma_wait3A_213, %dma_wait3A_214] : memref<32x5x64xi32, #tpu.memory_space<hbm>> -> memref<1x5x64xi32, #tpu.memory_space<hbm>>
      %dma_wait3A_216 = tpu.memref_squeeze %dma_wait3A_215 : memref<1x5x64xi32, #tpu.memory_space<hbm>> -> memref<5x64xi32, #tpu.memory_space<hbm>>
      tpu.wait_dma2 semaphore(%run_scoped3A : memref<!tpu.dma_semaphore, #tpu.memory_space<semaphore_mem>>) src(%dma_wait3A_216 : memref<5x64xi32, #tpu.memory_space<hbm>>) dst(%arg7 : memref<5x64xi32, #tpu.memory_space<vmem>>)
      tpu.yield
    }) : () -> ()
    %dma_start3A = arith.constant 0 : i32
    %dma_start3A_1 = arith.constant 0 : i32
    %dma_start3A_2 = tpu.memref_slice %arg7[%dma_start3A, %dma_start3A_1] : memref<5x64xi32, #tpu.memory_space<vmem>> -> memref<1x64xi32, #tpu.memory_space<vmem>>
    %dma_start3A_3 = tpu.memref_squeeze %dma_start3A_2 : memref<1x64xi32, #tpu.memory_space<vmem>> -> memref<64xi32, #tpu.memory_space<vmem>>
    %dma_start3A_4 = arith.constant 0 : i32
    %dma_start3A_5 = arith.constant 0 : i32
    %dma_start3A_6 = tpu.memref_slice %arg2[%dma_start3A_4, %dma_start3A_5] : memref<10000x128xf32, #tpu.memory_space<hbm>> -> memref<10000x128xf32, #tpu.memory_space<hbm>>
    tpu.enqueue_indirect_dma source(%dma_start3A_6 : memref<10000x128xf32, #tpu.memory_space<hbm>>) target(%arg8 : memref<64x128xf32, #tpu.memory_space<vmem>>) offsets(%dma_start3A_3 : memref<64xi32, #tpu.memory_space<vmem>>) semaphore(%arg14 : memref<!tpu.dma_semaphore, #tpu.memory_space<semaphore_mem>>)
    %dma_start3A_7 = arith.constant 0 : i32
    %dma_start3A_8 = arith.constant 0 : i32
    %dma_start3A_9 = arith.constant 0 : i32
    %dma_start3A_10 = tpu.memref_slice %arg13[%dma_start3A_8, %dma_start3A_9] : memref<5x64xf32, #tpu.memory_space<vmem>> -> memref<1x64xf32, #tpu.memory_space<vmem>>
    %dma_start3A_11 = tpu.memref_squeeze %dma_start3A_10 : memref<1x64xf32, #tpu.memory_space<vmem>> -> memref<64xf32, #tpu.memory_space<vmem>>
    %dma_start3A_12 = arith.constant 0 : i32
    %dma_start3A_13 = tpu.memref_slice %arg7[%dma_start3A_7, %dma_start3A_12] : memref<5x64xi32, #tpu.memory_space<vmem>> -> memref<1x64xi32, #tpu.memory_space<vmem>>
    %dma_start3A_14 = tpu.memref_squeeze %dma_start3A_13 : memref<1x64xi32, #tpu.memory_space<vmem>> -> memref<64xi32, #tpu.memory_space<vmem>>
    %dma_start3A_15 = arith.constant 0 : i32
    %dma_start3A_16 = tpu.memref_slice %arg3[%dma_start3A_15] : memref<10000xf32, #tpu.memory_space<hbm>> -> memref<10000xf32, #tpu.memory_space<hbm>>
    tpu.enqueue_indirect_dma source(%dma_start3A_16 : memref<10000xf32, #tpu.memory_space<hbm>>) target(%dma_start3A_11 : memref<64xf32, #tpu.memory_space<vmem>>) offsets(%dma_start3A_14 : memref<64xi32, #tpu.memory_space<vmem>>) semaphore(%arg15 : memref<!tpu.dma_semaphore, #tpu.memory_space<semaphore_mem>>)
    %dma_start3A_17 = arith.constant 1 : i32
    %dma_start3A_18 = arith.constant 0 : i32
    %dma_start3A_19 = tpu.memref_slice %arg7[%dma_start3A_17, %dma_start3A_18] : memref<5x64xi32, #tpu.memory_space<vmem>> -> memref<1x64xi32, #tpu.memory_space<vmem>>
    %dma_start3A_20 = tpu.memref_squeeze %dma_start3A_19 : memref<1x64xi32, #tpu.memory_space<vmem>> -> memref<64xi32, #tpu.memory_space<vmem>>
    %dma_start3A_21 = arith.constant 0 : i32
    %dma_start3A_22 = arith.constant 0 : i32
    %dma_start3A_23 = tpu.memref_slice %arg2[%dma_start3A_21, %dma_start3A_22] : memref<10000x128xf32, #tpu.memory_space<hbm>> -> memref<10000x128xf32, #tpu.memory_space<hbm>>
    tpu.enqueue_indirect_dma source(%dma_start3A_23 : memref<10000x128xf32, #tpu.memory_space<hbm>>) target(%arg9 : memref<64x128xf32, #tpu.memory_space<vmem>>) offsets(%dma_start3A_20 : memref<64xi32, #tpu.memory_space<vmem>>) semaphore(%arg14 : memref<!tpu.dma_semaphore, #tpu.memory_space<semaphore_mem>>)
    %dma_start3A_24 = arith.constant 1 : i32
    %dma_start3A_25 = arith.constant 1 : i32
    %dma_start3A_26 = arith.constant 0 : i32
    %dma_start3A_27 = tpu.memref_slice %arg13[%dma_start3A_25, %dma_start3A_26] : memref<5x64xf32, #tpu.memory_space<vmem>> -> memref<1x64xf32, #tpu.memory_space<vmem>>
    %dma_start3A_28 = tpu.memref_squeeze %dma_start3A_27 : memref<1x64xf32, #tpu.memory_space<vmem>> -> memref<64xf32, #tpu.memory_space<vmem>>
    %dma_start3A_29 = arith.constant 0 : i32
    %dma_start3A_30 = tpu.memref_slice %arg7[%dma_start3A_24, %dma_start3A_29] : memref<5x64xi32, #tpu.memory_space<vmem>> -> memref<1x64xi32, #tpu.memory_space<vmem>>
    %dma_start3A_31 = tpu.memref_squeeze %dma_start3A_30 : memref<1x64xi32, #tpu.memory_space<vmem>> -> memref<64xi32, #tpu.memory_space<vmem>>
    %dma_start3A_32 = arith.constant 0 : i32
    %dma_start3A_33 = tpu.memref_slice %arg3[%dma_start3A_32] : memref<10000xf32, #tpu.memory_space<hbm>> -> memref<10000xf32, #tpu.memory_space<hbm>>
    tpu.enqueue_indirect_dma source(%dma_start3A_33 : memref<10000xf32, #tpu.memory_space<hbm>>) target(%dma_start3A_28 : memref<64xf32, #tpu.memory_space<vmem>>) offsets(%dma_start3A_31 : memref<64xi32, #tpu.memory_space<vmem>>) semaphore(%arg15 : memref<!tpu.dma_semaphore, #tpu.memory_space<semaphore_mem>>)
    %dma_start3A_34 = arith.constant 2 : i32
    %dma_start3A_35 = arith.constant 0 : i32
    %dma_start3A_36 = tpu.memref_slice %arg7[%dma_start3A_34, %dma_start3A_35] : memref<5x64xi32, #tpu.memory_space<vmem>> -> memref<1x64xi32, #tpu.memory_space<vmem>>
    %dma_start3A_37 = tpu.memref_squeeze %dma_start3A_36 : memref<1x64xi32, #tpu.memory_space<vmem>> -> memref<64xi32, #tpu.memory_space<vmem>>
    %dma_start3A_38 = arith.constant 0 : i32
    %dma_start3A_39 = arith.constant 0 : i32
    %dma_start3A_40 = tpu.memref_slice %arg2[%dma_start3A_38, %dma_start3A_39] : memref<10000x128xf32, #tpu.memory_space<hbm>> -> memref<10000x128xf32, #tpu.memory_space<hbm>>
    tpu.enqueue_indirect_dma source(%dma_start3A_40 : memref<10000x128xf32, #tpu.memory_space<hbm>>) target(%arg10 : memref<64x128xf32, #tpu.memory_space<vmem>>) offsets(%dma_start3A_37 : memref<64xi32, #tpu.memory_space<vmem>>) semaphore(%arg14 : memref<!tpu.dma_semaphore, #tpu.memory_space<semaphore_mem>>)
    %dma_start3A_41 = arith.constant 2 : i32
    %dma_start3A_42 = arith.constant 2 : i32
    %dma_start3A_43 = arith.constant 0 : i32
    %dma_start3A_44 = tpu.memref_slice %arg13[%dma_start3A_42, %dma_start3A_43] : memref<5x64xf32, #tpu.memory_space<vmem>> -> memref<1x64xf32, #tpu.memory_space<vmem>>
    %dma_start3A_45 = tpu.memref_squeeze %dma_start3A_44 : memref<1x64xf32, #tpu.memory_space<vmem>> -> memref<64xf32, #tpu.memory_space<vmem>>
    %dma_start3A_46 = arith.constant 0 : i32
    %dma_start3A_47 = tpu.memref_slice %arg7[%dma_start3A_41, %dma_start3A_46] : memref<5x64xi32, #tpu.memory_space<vmem>> -> memref<1x64xi32, #tpu.memory_space<vmem>>
    %dma_start3A_48 = tpu.memref_squeeze %dma_start3A_47 : memref<1x64xi32, #tpu.memory_space<vmem>> -> memref<64xi32, #tpu.memory_space<vmem>>
    %dma_start3A_49 = arith.constant 0 : i32
    %dma_start3A_50 = tpu.memref_slice %arg3[%dma_start3A_49] : memref<10000xf32, #tpu.memory_space<hbm>> -> memref<10000xf32, #tpu.memory_space<hbm>>
    tpu.enqueue_indirect_dma source(%dma_start3A_50 : memref<10000xf32, #tpu.memory_space<hbm>>) target(%dma_start3A_45 : memref<64xf32, #tpu.memory_space<vmem>>) offsets(%dma_start3A_48 : memref<64xi32, #tpu.memory_space<vmem>>) semaphore(%arg15 : memref<!tpu.dma_semaphore, #tpu.memory_space<semaphore_mem>>)
    %dma_start3A_51 = arith.constant 3 : i32
    %dma_start3A_52 = arith.constant 0 : i32
    %dma_start3A_53 = tpu.memref_slice %arg7[%dma_start3A_51, %dma_start3A_52] : memref<5x64xi32, #tpu.memory_space<vmem>> -> memref<1x64xi32, #tpu.memory_space<vmem>>
    %dma_start3A_54 = tpu.memref_squeeze %dma_start3A_53 : memref<1x64xi32, #tpu.memory_space<vmem>> -> memref<64xi32, #tpu.memory_space<vmem>>
    %dma_start3A_55 = arith.constant 0 : i32
    %dma_start3A_56 = arith.constant 0 : i32
    %dma_start3A_57 = tpu.memref_slice %arg2[%dma_start3A_55, %dma_start3A_56] : memref<10000x128xf32, #tpu.memory_space<hbm>> -> memref<10000x128xf32, #tpu.memory_space<hbm>>
    tpu.enqueue_indirect_dma source(%dma_start3A_57 : memref<10000x128xf32, #tpu.memory_space<hbm>>) target(%arg11 : memref<64x128xf32, #tpu.memory_space<vmem>>) offsets(%dma_start3A_54 : memref<64xi32, #tpu.memory_space<vmem>>) semaphore(%arg14 : memref<!tpu.dma_semaphore, #tpu.memory_space<semaphore_mem>>)
    %dma_start3A_58 = arith.constant 3 : i32
    %dma_start3A_59 = arith.constant 3 : i32
    %dma_start3A_60 = arith.constant 0 : i32
    %dma_start3A_61 = tpu.memref_slice %arg13[%dma_start3A_59, %dma_start3A_60] : memref<5x64xf32, #tpu.memory_space<vmem>> -> memref<1x64xf32, #tpu.memory_space<vmem>>
    %dma_start3A_62 = tpu.memref_squeeze %dma_start3A_61 : memref<1x64xf32, #tpu.memory_space<vmem>> -> memref<64xf32, #tpu.memory_space<vmem>>
    %dma_start3A_63 = arith.constant 0 : i32
    %dma_start3A_64 = tpu.memref_slice %arg7[%dma_start3A_58, %dma_start3A_63] : memref<5x64xi32, #tpu.memory_space<vmem>> -> memref<1x64xi32, #tpu.memory_space<vmem>>
    %dma_start3A_65 = tpu.memref_squeeze %dma_start3A_64 : memref<1x64xi32, #tpu.memory_space<vmem>> -> memref<64xi32, #tpu.memory_space<vmem>>
    %dma_start3A_66 = arith.constant 0 : i32
    %dma_start3A_67 = tpu.memref_slice %arg3[%dma_start3A_66] : memref<10000xf32, #tpu.memory_space<hbm>> -> memref<10000xf32, #tpu.memory_space<hbm>>
    tpu.enqueue_indirect_dma source(%dma_start3A_67 : memref<10000xf32, #tpu.memory_space<hbm>>) target(%dma_start3A_62 : memref<64xf32, #tpu.memory_space<vmem>>) offsets(%dma_start3A_65 : memref<64xi32, #tpu.memory_space<vmem>>) semaphore(%arg15 : memref<!tpu.dma_semaphore, #tpu.memory_space<semaphore_mem>>)
    %dma_start3A_68 = arith.constant 4 : i32
    %dma_start3A_69 = arith.constant 0 : i32
    %dma_start3A_70 = tpu.memref_slice %arg7[%dma_start3A_68, %dma_start3A_69] : memref<5x64xi32, #tpu.memory_space<vmem>> -> memref<1x64xi32, #tpu.memory_space<vmem>>
    %dma_start3A_71 = tpu.memref_squeeze %dma_start3A_70 : memref<1x64xi32, #tpu.memory_space<vmem>> -> memref<64xi32, #tpu.memory_space<vmem>>
    %dma_start3A_72 = arith.constant 0 : i32
    %dma_start3A_73 = arith.constant 0 : i32
    %dma_start3A_74 = tpu.memref_slice %arg2[%dma_start3A_72, %dma_start3A_73] : memref<10000x128xf32, #tpu.memory_space<hbm>> -> memref<10000x128xf32, #tpu.memory_space<hbm>>
    tpu.enqueue_indirect_dma source(%dma_start3A_74 : memref<10000x128xf32, #tpu.memory_space<hbm>>) target(%arg12 : memref<64x128xf32, #tpu.memory_space<vmem>>) offsets(%dma_start3A_71 : memref<64xi32, #tpu.memory_space<vmem>>) semaphore(%arg14 : memref<!tpu.dma_semaphore, #tpu.memory_space<semaphore_mem>>)
    %dma_start3A_75 = arith.constant 4 : i32
    %dma_start3A_76 = arith.constant 4 : i32
    %dma_start3A_77 = arith.constant 0 : i32
    %dma_start3A_78 = tpu.memref_slice %arg13[%dma_start3A_76, %dma_start3A_77] : memref<5x64xf32, #tpu.memory_space<vmem>> -> memref<1x64xf32, #tpu.memory_space<vmem>>
    %dma_start3A_79 = tpu.memref_squeeze %dma_start3A_78 : memref<1x64xf32, #tpu.memory_space<vmem>> -> memref<64xf32, #tpu.memory_space<vmem>>
    %dma_start3A_80 = arith.constant 0 : i32
    %dma_start3A_81 = tpu.memref_slice %arg7[%dma_start3A_75, %dma_start3A_80] : memref<5x64xi32, #tpu.memory_space<vmem>> -> memref<1x64xi32, #tpu.memory_space<vmem>>
    %dma_start3A_82 = tpu.memref_squeeze %dma_start3A_81 : memref<1x64xi32, #tpu.memory_space<vmem>> -> memref<64xi32, #tpu.memory_space<vmem>>
    %dma_start3A_83 = arith.constant 0 : i32
    %dma_start3A_84 = tpu.memref_slice %arg3[%dma_start3A_83] : memref<10000xf32, #tpu.memory_space<hbm>> -> memref<10000xf32, #tpu.memory_space<hbm>>
    tpu.enqueue_indirect_dma source(%dma_start3A_84 : memref<10000xf32, #tpu.memory_space<hbm>>) target(%dma_start3A_79 : memref<64xf32, #tpu.memory_space<vmem>>) offsets(%dma_start3A_82 : memref<64xi32, #tpu.memory_space<vmem>>) semaphore(%arg15 : memref<!tpu.dma_semaphore, #tpu.memory_space<semaphore_mem>>)
    %dma_wait3A = arith.constant 0 : i32
    %dma_wait3A_85 = arith.constant 0 : i32
    %dma_wait3A_86 = tpu.memref_slice %arg7[%dma_wait3A, %dma_wait3A_85] : memref<5x64xi32, #tpu.memory_space<vmem>> -> memref<1x64xi32, #tpu.memory_space<vmem>>
    %dma_wait3A_87 = tpu.memref_squeeze %dma_wait3A_86 : memref<1x64xi32, #tpu.memory_space<vmem>> -> memref<64xi32, #tpu.memory_space<vmem>>
    %dma_wait3A_88 = arith.constant 0 : i32
    %dma_wait3A_89 = arith.constant 0 : i32
    %dma_wait3A_90 = tpu.memref_slice %arg2[%dma_wait3A_88, %dma_wait3A_89] : memref<10000x128xf32, #tpu.memory_space<hbm>> -> memref<10000x128xf32, #tpu.memory_space<hbm>>
    tpu.wait_indirect_dma semaphore(%arg14 : memref<!tpu.dma_semaphore, #tpu.memory_space<semaphore_mem>>) src(%dma_wait3A_90 : memref<10000x128xf32, #tpu.memory_space<hbm>>) dst(%arg8 : memref<64x128xf32, #tpu.memory_space<vmem>>)
    %mul3A_91 = arith.constant 5 : i32
    %mul3A_92 = arith.muli %add3A, %mul3A_91 : i32
    %mul3A_93 = arith.constant 64 : i32
    %mul3A_94 = arith.muli %mul3A_92, %mul3A_93 : i32
    %add3A_95 = arith.constant 0 : i32
    %add3A_96 = arith.addi %mul3A_94, %add3A_95 : i32
    "tpu.region"() ({
      %run_scoped3A = tpu.sem_alloc : memref<!tpu.dma_semaphore, #tpu.memory_space<semaphore_mem>>
      %dma_start3A_201 = arith.constant 0 : i32
      %dma_start3A_202 = tpu.memref_slice %arg5[%add3A_96, %dma_start3A_201] : memref<10240x128xf32, #tpu.memory_space<hbm>> -> memref<64x128xf32, #tpu.memory_space<hbm>>
      %dma_start3A_203 = arith.constant 0 : i32
      %dma_start3A_204 = tpu.memref_slice %arg5[%add3A_96, %dma_start3A_203] : memref<10240x128xf32, #tpu.memory_space<hbm>> -> memref<64x128xf32, #tpu.memory_space<hbm>>
      tpu.enqueue_dma source(%arg8 : memref<64x128xf32, #tpu.memory_space<vmem>>) target(%dma_start3A_204 : memref<64x128xf32, #tpu.memory_space<hbm>>) target_semaphore(%run_scoped3A : memref<!tpu.dma_semaphore, #tpu.memory_space<semaphore_mem>>)
      %dma_wait3A_205 = arith.constant 0 : i32
      %dma_wait3A_206 = tpu.memref_slice %arg5[%add3A_96, %dma_wait3A_205] : memref<10240x128xf32, #tpu.memory_space<hbm>> -> memref<64x128xf32, #tpu.memory_space<hbm>>
      %dma_wait3A_207 = arith.constant 0 : i32
      %dma_wait3A_208 = tpu.memref_slice %arg5[%add3A_96, %dma_wait3A_207] : memref<10240x128xf32, #tpu.memory_space<hbm>> -> memref<64x128xf32, #tpu.memory_space<hbm>>
      tpu.wait_dma2 semaphore(%run_scoped3A : memref<!tpu.dma_semaphore, #tpu.memory_space<semaphore_mem>>) src(%arg8 : memref<64x128xf32, #tpu.memory_space<vmem>>) dst(%dma_wait3A_208 : memref<64x128xf32, #tpu.memory_space<hbm>>)
      tpu.yield
    }) : () -> ()
    %dma_wait3A_97 = arith.constant 1 : i32
    %dma_wait3A_98 = arith.constant 0 : i32
    %dma_wait3A_99 = tpu.memref_slice %arg7[%dma_wait3A_97, %dma_wait3A_98] : memref<5x64xi32, #tpu.memory_space<vmem>> -> memref<1x64xi32, #tpu.memory_space<vmem>>
    %dma_wait3A_100 = tpu.memref_squeeze %dma_wait3A_99 : memref<1x64xi32, #tpu.memory_space<vmem>> -> memref<64xi32, #tpu.memory_space<vmem>>
    %dma_wait3A_101 = arith.constant 0 : i32
    %dma_wait3A_102 = arith.constant 0 : i32
    %dma_wait3A_103 = tpu.memref_slice %arg2[%dma_wait3A_101, %dma_wait3A_102] : memref<10000x128xf32, #tpu.memory_space<hbm>> -> memref<10000x128xf32, #tpu.memory_space<hbm>>
    tpu.wait_indirect_dma semaphore(%arg14 : memref<!tpu.dma_semaphore, #tpu.memory_space<semaphore_mem>>) src(%dma_wait3A_103 : memref<10000x128xf32, #tpu.memory_space<hbm>>) dst(%arg9 : memref<64x128xf32, #tpu.memory_space<vmem>>)
    %mul3A_104 = arith.constant 5 : i32
    %mul3A_105 = arith.muli %add3A, %mul3A_104 : i32
    %mul3A_106 = arith.constant 64 : i32
    %mul3A_107 = arith.muli %mul3A_105, %mul3A_106 : i32
    %add3A_108 = arith.constant 64 : i32
    %add3A_109 = arith.addi %mul3A_107, %add3A_108 : i32
    "tpu.region"() ({
      %run_scoped3A = tpu.sem_alloc : memref<!tpu.dma_semaphore, #tpu.memory_space<semaphore_mem>>
      %dma_start3A_201 = arith.constant 0 : i32
      %dma_start3A_202 = tpu.memref_slice %arg5[%add3A_109, %dma_start3A_201] : memref<10240x128xf32, #tpu.memory_space<hbm>> -> memref<64x128xf32, #tpu.memory_space<hbm>>
      %dma_start3A_203 = arith.constant 0 : i32
      %dma_start3A_204 = tpu.memref_slice %arg5[%add3A_109, %dma_start3A_203] : memref<10240x128xf32, #tpu.memory_space<hbm>> -> memref<64x128xf32, #tpu.memory_space<hbm>>
      tpu.enqueue_dma source(%arg9 : memref<64x128xf32, #tpu.memory_space<vmem>>) target(%dma_start3A_204 : memref<64x128xf32, #tpu.memory_space<hbm>>) target_semaphore(%run_scoped3A : memref<!tpu.dma_semaphore, #tpu.memory_space<semaphore_mem>>)
      %dma_wait3A_205 = arith.constant 0 : i32
      %dma_wait3A_206 = tpu.memref_slice %arg5[%add3A_109, %dma_wait3A_205] : memref<10240x128xf32, #tpu.memory_space<hbm>> -> memref<64x128xf32, #tpu.memory_space<hbm>>
      %dma_wait3A_207 = arith.constant 0 : i32
      %dma_wait3A_208 = tpu.memref_slice %arg5[%add3A_109, %dma_wait3A_207] : memref<10240x128xf32, #tpu.memory_space<hbm>> -> memref<64x128xf32, #tpu.memory_space<hbm>>
      tpu.wait_dma2 semaphore(%run_scoped3A : memref<!tpu.dma_semaphore, #tpu.memory_space<semaphore_mem>>) src(%arg9 : memref<64x128xf32, #tpu.memory_space<vmem>>) dst(%dma_wait3A_208 : memref<64x128xf32, #tpu.memory_space<hbm>>)
      tpu.yield
    }) : () -> ()
    %dma_wait3A_110 = arith.constant 2 : i32
    %dma_wait3A_111 = arith.constant 0 : i32
    %dma_wait3A_112 = tpu.memref_slice %arg7[%dma_wait3A_110, %dma_wait3A_111] : memref<5x64xi32, #tpu.memory_space<vmem>> -> memref<1x64xi32, #tpu.memory_space<vmem>>
    %dma_wait3A_113 = tpu.memref_squeeze %dma_wait3A_112 : memref<1x64xi32, #tpu.memory_space<vmem>> -> memref<64xi32, #tpu.memory_space<vmem>>
    %dma_wait3A_114 = arith.constant 0 : i32
    %dma_wait3A_115 = arith.constant 0 : i32
    %dma_wait3A_116 = tpu.memref_slice %arg2[%dma_wait3A_114, %dma_wait3A_115] : memref<10000x128xf32, #tpu.memory_space<hbm>> -> memref<10000x128xf32, #tpu.memory_space<hbm>>
    tpu.wait_indirect_dma semaphore(%arg14 : memref<!tpu.dma_semaphore, #tpu.memory_space<semaphore_mem>>) src(%dma_wait3A_116 : memref<10000x128xf32, #tpu.memory_space<hbm>>) dst(%arg10 : memref<64x128xf32, #tpu.memory_space<vmem>>)
    %mul3A_117 = arith.constant 5 : i32
    %mul3A_118 = arith.muli %add3A, %mul3A_117 : i32
    %mul3A_119 = arith.constant 64 : i32
    %mul3A_120 = arith.muli %mul3A_118, %mul3A_119 : i32
    %add3A_121 = arith.constant 128 : i32
    %add3A_122 = arith.addi %mul3A_120, %add3A_121 : i32
    "tpu.region"() ({
      %run_scoped3A = tpu.sem_alloc : memref<!tpu.dma_semaphore, #tpu.memory_space<semaphore_mem>>
      %dma_start3A_201 = arith.constant 0 : i32
      %dma_start3A_202 = tpu.memref_slice %arg5[%add3A_122, %dma_start3A_201] : memref<10240x128xf32, #tpu.memory_space<hbm>> -> memref<64x128xf32, #tpu.memory_space<hbm>>
      %dma_start3A_203 = arith.constant 0 : i32
      %dma_start3A_204 = tpu.memref_slice %arg5[%add3A_122, %dma_start3A_203] : memref<10240x128xf32, #tpu.memory_space<hbm>> -> memref<64x128xf32, #tpu.memory_space<hbm>>
      tpu.enqueue_dma source(%arg10 : memref<64x128xf32, #tpu.memory_space<vmem>>) target(%dma_start3A_204 : memref<64x128xf32, #tpu.memory_space<hbm>>) target_semaphore(%run_scoped3A : memref<!tpu.dma_semaphore, #tpu.memory_space<semaphore_mem>>)
      %dma_wait3A_205 = arith.constant 0 : i32
      %dma_wait3A_206 = tpu.memref_slice %arg5[%add3A_122, %dma_wait3A_205] : memref<10240x128xf32, #tpu.memory_space<hbm>> -> memref<64x128xf32, #tpu.memory_space<hbm>>
      %dma_wait3A_207 = arith.constant 0 : i32
      %dma_wait3A_208 = tpu.memref_slice %arg5[%add3A_122, %dma_wait3A_207] : memref<10240x128xf32, #tpu.memory_space<hbm>> -> memref<64x128xf32, #tpu.memory_space<hbm>>
      tpu.wait_dma2 semaphore(%run_scoped3A : memref<!tpu.dma_semaphore, #tpu.memory_space<semaphore_mem>>) src(%arg10 : memref<64x128xf32, #tpu.memory_space<vmem>>) dst(%dma_wait3A_208 : memref<64x128xf32, #tpu.memory_space<hbm>>)
      tpu.yield
    }) : () -> ()
    %dma_wait3A_123 = arith.constant 3 : i32
    %dma_wait3A_124 = arith.constant 0 : i32
    %dma_wait3A_125 = tpu.memref_slice %arg7[%dma_wait3A_123, %dma_wait3A_124] : memref<5x64xi32, #tpu.memory_space<vmem>> -> memref<1x64xi32, #tpu.memory_space<vmem>>
    %dma_wait3A_126 = tpu.memref_squeeze %dma_wait3A_125 : memref<1x64xi32, #tpu.memory_space<vmem>> -> memref<64xi32, #tpu.memory_space<vmem>>
    %dma_wait3A_127 = arith.constant 0 : i32
    %dma_wait3A_128 = arith.constant 0 : i32
    %dma_wait3A_129 = tpu.memref_slice %arg2[%dma_wait3A_127, %dma_wait3A_128] : memref<10000x128xf32, #tpu.memory_space<hbm>> -> memref<10000x128xf32, #tpu.memory_space<hbm>>
    tpu.wait_indirect_dma semaphore(%arg14 : memref<!tpu.dma_semaphore, #tpu.memory_space<semaphore_mem>>) src(%dma_wait3A_129 : memref<10000x128xf32, #tpu.memory_space<hbm>>) dst(%arg11 : memref<64x128xf32, #tpu.memory_space<vmem>>)
    %mul3A_130 = arith.constant 5 : i32
    %mul3A_131 = arith.muli %add3A, %mul3A_130 : i32
    %mul3A_132 = arith.constant 64 : i32
    %mul3A_133 = arith.muli %mul3A_131, %mul3A_132 : i32
    %add3A_134 = arith.constant 192 : i32
    %add3A_135 = arith.addi %mul3A_133, %add3A_134 : i32
    "tpu.region"() ({
      %run_scoped3A = tpu.sem_alloc : memref<!tpu.dma_semaphore, #tpu.memory_space<semaphore_mem>>
      %dma_start3A_201 = arith.constant 0 : i32
      %dma_start3A_202 = tpu.memref_slice %arg5[%add3A_135, %dma_start3A_201] : memref<10240x128xf32, #tpu.memory_space<hbm>> -> memref<64x128xf32, #tpu.memory_space<hbm>>
      %dma_start3A_203 = arith.constant 0 : i32
      %dma_start3A_204 = tpu.memref_slice %arg5[%add3A_135, %dma_start3A_203] : memref<10240x128xf32, #tpu.memory_space<hbm>> -> memref<64x128xf32, #tpu.memory_space<hbm>>
      tpu.enqueue_dma source(%arg11 : memref<64x128xf32, #tpu.memory_space<vmem>>) target(%dma_start3A_204 : memref<64x128xf32, #tpu.memory_space<hbm>>) target_semaphore(%run_scoped3A : memref<!tpu.dma_semaphore, #tpu.memory_space<semaphore_mem>>)
      %dma_wait3A_205 = arith.constant 0 : i32
      %dma_wait3A_206 = tpu.memref_slice %arg5[%add3A_135, %dma_wait3A_205] : memref<10240x128xf32, #tpu.memory_space<hbm>> -> memref<64x128xf32, #tpu.memory_space<hbm>>
      %dma_wait3A_207 = arith.constant 0 : i32
      %dma_wait3A_208 = tpu.memref_slice %arg5[%add3A_135, %dma_wait3A_207] : memref<10240x128xf32, #tpu.memory_space<hbm>> -> memref<64x128xf32, #tpu.memory_space<hbm>>
      tpu.wait_dma2 semaphore(%run_scoped3A : memref<!tpu.dma_semaphore, #tpu.memory_space<semaphore_mem>>) src(%arg11 : memref<64x128xf32, #tpu.memory_space<vmem>>) dst(%dma_wait3A_208 : memref<64x128xf32, #tpu.memory_space<hbm>>)
      tpu.yield
    }) : () -> ()
    %dma_wait3A_136 = arith.constant 4 : i32
    %dma_wait3A_137 = arith.constant 0 : i32
    %dma_wait3A_138 = tpu.memref_slice %arg7[%dma_wait3A_136, %dma_wait3A_137] : memref<5x64xi32, #tpu.memory_space<vmem>> -> memref<1x64xi32, #tpu.memory_space<vmem>>
    %dma_wait3A_139 = tpu.memref_squeeze %dma_wait3A_138 : memref<1x64xi32, #tpu.memory_space<vmem>> -> memref<64xi32, #tpu.memory_space<vmem>>
    %dma_wait3A_140 = arith.constant 0 : i32
    %dma_wait3A_141 = arith.constant 0 : i32
    %dma_wait3A_142 = tpu.memref_slice %arg2[%dma_wait3A_140, %dma_wait3A_141] : memref<10000x128xf32, #tpu.memory_space<hbm>> -> memref<10000x128xf32, #tpu.memory_space<hbm>>
    tpu.wait_indirect_dma semaphore(%arg14 : memref<!tpu.dma_semaphore, #tpu.memory_space<semaphore_mem>>) src(%dma_wait3A_142 : memref<10000x128xf32, #tpu.memory_space<hbm>>) dst(%arg12 : memref<64x128xf32, #tpu.memory_space<vmem>>)
    %mul3A_143 = arith.constant 5 : i32
    %mul3A_144 = arith.muli %add3A, %mul3A_143 : i32
    %mul3A_145 = arith.constant 64 : i32
    %mul3A_146 = arith.muli %mul3A_144, %mul3A_145 : i32
    %add3A_147 = arith.constant 256 : i32
    %add3A_148 = arith.addi %mul3A_146, %add3A_147 : i32
    "tpu.region"() ({
      %run_scoped3A = tpu.sem_alloc : memref<!tpu.dma_semaphore, #tpu.memory_space<semaphore_mem>>
      %dma_start3A_201 = arith.constant 0 : i32
      %dma_start3A_202 = tpu.memref_slice %arg5[%add3A_148, %dma_start3A_201] : memref<10240x128xf32, #tpu.memory_space<hbm>> -> memref<64x128xf32, #tpu.memory_space<hbm>>
      %dma_start3A_203 = arith.constant 0 : i32
      %dma_start3A_204 = tpu.memref_slice %arg5[%add3A_148, %dma_start3A_203] : memref<10240x128xf32, #tpu.memory_space<hbm>> -> memref<64x128xf32, #tpu.memory_space<hbm>>
      tpu.enqueue_dma source(%arg12 : memref<64x128xf32, #tpu.memory_space<vmem>>) target(%dma_start3A_204 : memref<64x128xf32, #tpu.memory_space<hbm>>) target_semaphore(%run_scoped3A : memref<!tpu.dma_semaphore, #tpu.memory_space<semaphore_mem>>)
      %dma_wait3A_205 = arith.constant 0 : i32
      %dma_wait3A_206 = tpu.memref_slice %arg5[%add3A_148, %dma_wait3A_205] : memref<10240x128xf32, #tpu.memory_space<hbm>> -> memref<64x128xf32, #tpu.memory_space<hbm>>
      %dma_wait3A_207 = arith.constant 0 : i32
      %dma_wait3A_208 = tpu.memref_slice %arg5[%add3A_148, %dma_wait3A_207] : memref<10240x128xf32, #tpu.memory_space<hbm>> -> memref<64x128xf32, #tpu.memory_space<hbm>>
      tpu.wait_dma2 semaphore(%run_scoped3A : memref<!tpu.dma_semaphore, #tpu.memory_space<semaphore_mem>>) src(%arg12 : memref<64x128xf32, #tpu.memory_space<vmem>>) dst(%dma_wait3A_208 : memref<64x128xf32, #tpu.memory_space<hbm>>)
      tpu.yield
    }) : () -> ()
    %dma_wait3A_149 = arith.constant 0 : i32
    %dma_wait3A_150 = arith.constant 0 : i32
    %dma_wait3A_151 = arith.constant 0 : i32
    %dma_wait3A_152 = tpu.memref_slice %arg13[%dma_wait3A_150, %dma_wait3A_151] : memref<5x64xf32, #tpu.memory_space<vmem>> -> memref<1x64xf32, #tpu.memory_space<vmem>>
    %dma_wait3A_153 = tpu.memref_squeeze %dma_wait3A_152 : memref<1x64xf32, #tpu.memory_space<vmem>> -> memref<64xf32, #tpu.memory_space<vmem>>
    %dma_wait3A_154 = arith.constant 0 : i32
    %dma_wait3A_155 = tpu.memref_slice %arg7[%dma_wait3A_149, %dma_wait3A_154] : memref<5x64xi32, #tpu.memory_space<vmem>> -> memref<1x64xi32, #tpu.memory_space<vmem>>
    %dma_wait3A_156 = tpu.memref_squeeze %dma_wait3A_155 : memref<1x64xi32, #tpu.memory_space<vmem>> -> memref<64xi32, #tpu.memory_space<vmem>>
    %dma_wait3A_157 = arith.constant 0 : i32
    %dma_wait3A_158 = tpu.memref_slice %arg3[%dma_wait3A_157] : memref<10000xf32, #tpu.memory_space<hbm>> -> memref<10000xf32, #tpu.memory_space<hbm>>
    tpu.wait_indirect_dma semaphore(%arg15 : memref<!tpu.dma_semaphore, #tpu.memory_space<semaphore_mem>>) src(%dma_wait3A_158 : memref<10000xf32, #tpu.memory_space<hbm>>) dst(%dma_wait3A_153 : memref<64xf32, #tpu.memory_space<vmem>>)
    %dma_wait3A_159 = arith.constant 1 : i32
    %dma_wait3A_160 = arith.constant 1 : i32
    %dma_wait3A_161 = arith.constant 0 : i32
    %dma_wait3A_162 = tpu.memref_slice %arg13[%dma_wait3A_160, %dma_wait3A_161] : memref<5x64xf32, #tpu.memory_space<vmem>> -> memref<1x64xf32, #tpu.memory_space<vmem>>
    %dma_wait3A_163 = tpu.memref_squeeze %dma_wait3A_162 : memref<1x64xf32, #tpu.memory_space<vmem>> -> memref<64xf32, #tpu.memory_space<vmem>>
    %dma_wait3A_164 = arith.constant 0 : i32
    %dma_wait3A_165 = tpu.memref_slice %arg7[%dma_wait3A_159, %dma_wait3A_164] : memref<5x64xi32, #tpu.memory_space<vmem>> -> memref<1x64xi32, #tpu.memory_space<vmem>>
    %dma_wait3A_166 = tpu.memref_squeeze %dma_wait3A_165 : memref<1x64xi32, #tpu.memory_space<vmem>> -> memref<64xi32, #tpu.memory_space<vmem>>
    %dma_wait3A_167 = arith.constant 0 : i32
    %dma_wait3A_168 = tpu.memref_slice %arg3[%dma_wait3A_167] : memref<10000xf32, #tpu.memory_space<hbm>> -> memref<10000xf32, #tpu.memory_space<hbm>>
    tpu.wait_indirect_dma semaphore(%arg15 : memref<!tpu.dma_semaphore, #tpu.memory_space<semaphore_mem>>) src(%dma_wait3A_168 : memref<10000xf32, #tpu.memory_space<hbm>>) dst(%dma_wait3A_163 : memref<64xf32, #tpu.memory_space<vmem>>)
    %dma_wait3A_169 = arith.constant 2 : i32
    %dma_wait3A_170 = arith.constant 2 : i32
    %dma_wait3A_171 = arith.constant 0 : i32
    %dma_wait3A_172 = tpu.memref_slice %arg13[%dma_wait3A_170, %dma_wait3A_171] : memref<5x64xf32, #tpu.memory_space<vmem>> -> memref<1x64xf32, #tpu.memory_space<vmem>>
    %dma_wait3A_173 = tpu.memref_squeeze %dma_wait3A_172 : memref<1x64xf32, #tpu.memory_space<vmem>> -> memref<64xf32, #tpu.memory_space<vmem>>
    %dma_wait3A_174 = arith.constant 0 : i32
    %dma_wait3A_175 = tpu.memref_slice %arg7[%dma_wait3A_169, %dma_wait3A_174] : memref<5x64xi32, #tpu.memory_space<vmem>> -> memref<1x64xi32, #tpu.memory_space<vmem>>
    %dma_wait3A_176 = tpu.memref_squeeze %dma_wait3A_175 : memref<1x64xi32, #tpu.memory_space<vmem>> -> memref<64xi32, #tpu.memory_space<vmem>>
    %dma_wait3A_177 = arith.constant 0 : i32
    %dma_wait3A_178 = tpu.memref_slice %arg3[%dma_wait3A_177] : memref<10000xf32, #tpu.memory_space<hbm>> -> memref<10000xf32, #tpu.memory_space<hbm>>
    tpu.wait_indirect_dma semaphore(%arg15 : memref<!tpu.dma_semaphore, #tpu.memory_space<semaphore_mem>>) src(%dma_wait3A_178 : memref<10000xf32, #tpu.memory_space<hbm>>) dst(%dma_wait3A_173 : memref<64xf32, #tpu.memory_space<vmem>>)
    %dma_wait3A_179 = arith.constant 3 : i32
    %dma_wait3A_180 = arith.constant 3 : i32
    %dma_wait3A_181 = arith.constant 0 : i32
    %dma_wait3A_182 = tpu.memref_slice %arg13[%dma_wait3A_180, %dma_wait3A_181] : memref<5x64xf32, #tpu.memory_space<vmem>> -> memref<1x64xf32, #tpu.memory_space<vmem>>
    %dma_wait3A_183 = tpu.memref_squeeze %dma_wait3A_182 : memref<1x64xf32, #tpu.memory_space<vmem>> -> memref<64xf32, #tpu.memory_space<vmem>>
    %dma_wait3A_184 = arith.constant 0 : i32
    %dma_wait3A_185 = tpu.memref_slice %arg7[%dma_wait3A_179, %dma_wait3A_184] : memref<5x64xi32, #tpu.memory_space<vmem>> -> memref<1x64xi32, #tpu.memory_space<vmem>>
    %dma_wait3A_186 = tpu.memref_squeeze %dma_wait3A_185 : memref<1x64xi32, #tpu.memory_space<vmem>> -> memref<64xi32, #tpu.memory_space<vmem>>
    %dma_wait3A_187 = arith.constant 0 : i32
    %dma_wait3A_188 = tpu.memref_slice %arg3[%dma_wait3A_187] : memref<10000xf32, #tpu.memory_space<hbm>> -> memref<10000xf32, #tpu.memory_space<hbm>>
    tpu.wait_indirect_dma semaphore(%arg15 : memref<!tpu.dma_semaphore, #tpu.memory_space<semaphore_mem>>) src(%dma_wait3A_188 : memref<10000xf32, #tpu.memory_space<hbm>>) dst(%dma_wait3A_183 : memref<64xf32, #tpu.memory_space<vmem>>)
    %dma_wait3A_189 = arith.constant 4 : i32
    %dma_wait3A_190 = arith.constant 4 : i32
    %dma_wait3A_191 = arith.constant 0 : i32
    %dma_wait3A_192 = tpu.memref_slice %arg13[%dma_wait3A_190, %dma_wait3A_191] : memref<5x64xf32, #tpu.memory_space<vmem>> -> memref<1x64xf32, #tpu.memory_space<vmem>>
    %dma_wait3A_193 = tpu.memref_squeeze %dma_wait3A_192 : memref<1x64xf32, #tpu.memory_space<vmem>> -> memref<64xf32, #tpu.memory_space<vmem>>
    %dma_wait3A_194 = arith.constant 0 : i32
    %dma_wait3A_195 = tpu.memref_slice %arg7[%dma_wait3A_189, %dma_wait3A_194] : memref<5x64xi32, #tpu.memory_space<vmem>> -> memref<1x64xi32, #tpu.memory_space<vmem>>
    %dma_wait3A_196 = tpu.memref_squeeze %dma_wait3A_195 : memref<1x64xi32, #tpu.memory_space<vmem>> -> memref<64xi32, #tpu.memory_space<vmem>>
    %dma_wait3A_197 = arith.constant 0 : i32
    %dma_wait3A_198 = tpu.memref_slice %arg3[%dma_wait3A_197] : memref<10000xf32, #tpu.memory_space<hbm>> -> memref<10000xf32, #tpu.memory_space<hbm>>
    tpu.wait_indirect_dma semaphore(%arg15 : memref<!tpu.dma_semaphore, #tpu.memory_space<semaphore_mem>>) src(%dma_wait3A_198 : memref<10000xf32, #tpu.memory_space<hbm>>) dst(%dma_wait3A_193 : memref<64xf32, #tpu.memory_space<vmem>>)
    %mul3A_199 = arith.constant 5 : i32
    %mul3A_200 = arith.muli %add3A, %mul3A_199 : i32
    "tpu.region"() ({
      %run_scoped3A = tpu.sem_alloc : memref<!tpu.dma_semaphore, #tpu.memory_space<semaphore_mem>>
      %dma_start3A_201 = arith.constant 0 : i32
      %dma_start3A_202 = tpu.memref_slice %arg6[%mul3A_200, %dma_start3A_201] : memref<160x64xf32, #tpu.memory_space<hbm>> -> memref<5x64xf32, #tpu.memory_space<hbm>>
      %dma_start3A_203 = arith.constant 0 : i32
      %dma_start3A_204 = tpu.memref_slice %arg6[%mul3A_200, %dma_start3A_203] : memref<160x64xf32, #tpu.memory_space<hbm>> -> memref<5x64xf32, #tpu.memory_space<hbm>>
      tpu.enqueue_dma source(%arg13 : memref<5x64xf32, #tpu.memory_space<vmem>>) target(%dma_start3A_204 : memref<5x64xf32, #tpu.memory_space<hbm>>) target_semaphore(%run_scoped3A : memref<!tpu.dma_semaphore, #tpu.memory_space<semaphore_mem>>)
      %dma_wait3A_205 = arith.constant 0 : i32
      %dma_wait3A_206 = tpu.memref_slice %arg6[%mul3A_200, %dma_wait3A_205] : memref<160x64xf32, #tpu.memory_space<hbm>> -> memref<5x64xf32, #tpu.memory_space<hbm>>
      %dma_wait3A_207 = arith.constant 0 : i32
      %dma_wait3A_208 = tpu.memref_slice %arg6[%mul3A_200, %dma_wait3A_207] : memref<160x64xf32, #tpu.memory_space<hbm>> -> memref<5x64xf32, #tpu.memory_space<hbm>>
      tpu.wait_dma2 semaphore(%run_scoped3A : memref<!tpu.dma_semaphore, #tpu.memory_space<semaphore_mem>>) src(%arg13 : memref<5x64xf32, #tpu.memory_space<vmem>>) dst(%dma_wait3A_208 : memref<5x64xf32, #tpu.memory_space<hbm>>)
      tpu.yield
    }) : () -> ()
    return
  }
}

</mosaic_0001>

<sc_bundles>
// kernel: _gather_h0.3.cloned.1.call-start
scs
__scs_entry_jumppad:
0x0: {  	(pc) =	sbr.rel $0x88, $3  }
0x1: {  	(tag) =	ssettag $0x0;
	lr =	simm.s32 $0x1  }
0x2: {  	[smem:$0x3F9E] =	sst lr;
	_ =	strace $0xD0000000  }
0x3: {  	_ = 	snop  }
0x4: {  	_ = 	snop  }
0x5: {  	_ = 	snop  }
0x6: {  	_ = 	snop  }
0x7: {  	_ = 	snop  }
__scs_overlays_trampoline_lowered:
0x8: {  	[smem:$0x3FAD] =	sst s0  }
0x9: {  	[smem:$0x3FAE] =	sst s1  }
0xa: {  	[smem:$0x3FAF] =	sst s2  }
0xb: {  	[smem:$0x3FB0] =	sst s3  }
0xc: {  	[smem:$0x3FB1] =	sst s4  }
0xd: {  	[smem:$0x3FB2] =	sst s5  }
0xe: {  	[smem:$0x3FB3] =	sst s6  }
0xf: {  	[smem:$0x3FB4] =	sst s7  }
0x10: {  	[smem:$0x3FB5] =	sst s8  }
0x11: {  	[smem:$0x3FB6] =	sst s9;
	s0 =	simm.s32 @!p0 $0x0  }
0x12: {  	s1 =	sld [smem:$0x3F9C];
	s0 =	simm.s32 @p0 $0x1  }
0x13: {  	[smem:$0x3FB7] =	sst s0;
	s0 =	simm.s32 @!p1 $0x0  }
0x14: {  	s2 =	sld [smem:$0x3F9B];
	s0 =	simm.s32 @p1 $0x1  }
0x15: {  	[smem:$0x3FB8] =	sst s0;
	s0 =	simm.s32 @!p2 $0x0  }
0x16: {  	s3 =	sld [smem:$0x3FDB];
	s0 =	simm.s32 @p2 $0x1  }
0x17: {  	s4 =	simm.s32 $0x1BF5;
	[smem:$0x3FBA] =	sst s0  }
0x18: {  	s0 =	sld [smem:$0x3F9D];
	_ =	swait.ge [sflag:s4], $0x0  }
0x19: {  	s7 =	sld [smem:$0x3F9E]  }
0x1a: {  	s8 =	sadd.s32 $0xFFFFE003, lr  }
0x1b: {  	s9 =	sadd.s32 $0xFFFFFEF7, lr;
	s5 =	simm.s32 $0xFFFFFFFF;
	p2 =	slt.u32 s8, $0xFFFFF086  }
0x1c: {  	p1 =	slt.u32 s9, $0xF7A;
	s5 =	simm.s32 @!p2 $0x0  }
0x1d: {  	s5 =	simm.s32 @p1 $0x1;
	p0 =	seq.s32 s7, s2  }
0x1e: {  	s7 =	smul.u32 @!p0 $0xF7A, s2;
	p2 =	seq.s32 @!p0 s5, $0x0  }
0x1f: {  	s9 =	smul.u32 $0xF7A, s1;
	s8 =	simm.s32 @!p0 $0x1BF5;
	p2 =	por !p2, p0  }
0x20: {  	[sflag:s8] =	ssyncset.s32 @!p0 $0xFFFFF086;
	s6 =	sadd.s32 @!p0 s3, s7;
	s7 =	simm.s32 @!p0 $0x108  }
0x21: {  	s3 =	sadd.s32 s3, s9;
	s6 =	sadd.s32 @!p0 $0x88, s6;
	s7 =	simm.s32 @p2 $0x1082  }
0x22: {  	[simem:s7], [sflag:s8] =	dma.local @!p0 [hbm:s6], $0xF7A  }
0x23: {  	s9 =	sor.u32 $0xD0000000, s2;
	s6 =	simm.s32 $0x108;
	_ =	swait.ge @!p0 [sflag:s8], $0x0  }
0x24: {  	s3 =	sadd.s32 $0x88, s3;
	s6 =	simm.s32 @!p1 $0x1082;
	[sflag:s4] =	ssyncset.s32 $0xFFFFF086  }
0x25: {  	[simem:s6], [sflag:s4] =	dma.local [hbm:s3], $0xF7A  }
0x26: {  	[smem:$0x3F9E] =	sst s1;
	(tag) =	ssettag s2;
	_ =	strace s9  }
0x27: {  	s1 =	sld [smem:$0x3FAE]  }
0x28: {  	s2 =	sld [smem:$0x3FAF]  }
0x29: {  	s4 =	sld [smem:$0x3FB1]  }
0x2a: {  	p0 =	seq.s32 s5, $0x0;
	s5 =	sld [smem:$0x3FB2]  }
0x2b: {  	s6 =	sld [smem:$0x3FB3]  }
0x2c: {  	s7 =	sld [smem:$0x3FB4]  }
0x2d: {  	s3 =	simm.s32 $0x108;
	s8 =	sld [smem:$0x3FB5]  }
0x2e: {  	s3 =	simm.s32 @!p0 $0x1082;
	s9 =	sld [smem:$0x3FB6]  }
0x2f: {  	lr =	sadd.s32 s0, s3;
	s0 =	sld [smem:$0x3FAD]  }
0x30: {  	s3 =	sld [smem:$0x3FB0]  }
0x31: {  	[smem:$0x3FB9] =	sst s10  }
0x32: {  	s10 =	sld [smem:$0x3FB7];
	_ =	sdelay $0x3  }
0x33: {  	p0 =	seq.s32 s10, $0x1;
	s10 =	sld [smem:$0x3FB9];
	_ =	sdelay $0x3  }
0x34: {  	[smem:$0x3FB9] =	sst s10  }
0x35: {  	s10 =	sld [smem:$0x3FB8];
	_ =	sdelay $0x3  }
0x36: {  	p1 =	seq.s32 s10, $0x1;
	s10 =	sld [smem:$0x3FB9];
	_ =	sdelay $0x3  }
0x37: {  	[smem:$0x3FB9] =	sst s10  }
0x38: {  	s10 =	sld [smem:$0x3FBA]  }
0x39: {  	_ = 	snop;
	(pc) =	sbr.ind lr, $3  }
0x3a: {  	_ = 	snop  }
0x3b: {  	_ = 	snop  }
0x3c: {  	p2 =	seq.s32 s10, $0x1;
	s10 =	sld [smem:$0x3FB9]  }
0x3d: {  	_ =	shalt  }
0x3e: {  	_ =	shalt  }
0x3f: {  	_ =	shalt  }
0x40: {  	_ =	shalt  }
0x41: {  	_ =	shalt  }
0x42: {  	_ =	shalt  }
0x43: {  	_ =	shalt  }
0x44: {  	_ =	shalt  }
0x45: {  	_ =	shalt  }
0x46: {  	_ =	shalt  }
0x47: {  	_ =	shalt  }
0x48: {  	_ =	shalt  }
0x49: {  	_ =	shalt  }
0x4a: {  	_ =	shalt  }
0x4b: {  	_ =	shalt  }
0x4c: {  	_ =	shalt  }
0x4d: {  	_ =	shalt  }
0x4e: {  	_ =	shalt  }
0x4f: {  	_ =	shalt  }
0x50: {  	_ =	shalt  }
0x51: {  	_ =	shalt  }
0x52: {  	_ =	shalt  }
0x53: {  	_ =	shalt  }
0x54: {  	_ =	shalt  }
0x55: {  	_ =	shalt  }
0x56: {  	_ =	shalt  }
0x57: {  	_ =	shalt  }
0x58: {  	_ =	shalt  }
0x59: {  	_ =	shalt  }
0x5a: {  	_ =	shalt  }
0x5b: {  	_ =	shalt  }
0x5c: {  	_ =	shalt  }
0x5d: {  	_ =	shalt  }
0x5e: {  	_ =	shalt  }
0x5f: {  	_ =	shalt  }
0x60: {  	_ =	shalt  }
0x61: {  	_ =	shalt  }
0x62: {  	_ =	shalt  }
0x63: {  	_ =	shalt  }
0x64: {  	_ =	shalt  }
0x65: {  	_ =	shalt  }
0x66: {  	_ =	shalt  }
0x67: {  	_ =	shalt  }
0x68: {  	_ =	shalt  }
0x69: {  	_ =	shalt  }
0x6a: {  	_ =	shalt  }
0x6b: {  	_ =	shalt  }
0x6c: {  	_ =	shalt  }
0x6d: {  	_ =	shalt  }
0x6e: {  	_ =	shalt  }
0x6f: {  	_ =	shalt  }
0x70: {  	_ =	shalt  }
0x71: {  	_ =	shalt  }
0x72: {  	_ =	shalt  }
0x73: {  	_ =	shalt  }
0x74: {  	_ =	shalt  }
0x75: {  	_ =	shalt  }
0x76: {  	_ =	shalt  }
0x77: {  	_ =	shalt  }
0x78: {  	_ =	shalt  }
0x79: {  	_ =	shalt  }
0x7a: {  	_ =	shalt  }
0x7b: {  	_ =	shalt  }
0x7c: {  	_ =	shalt  }
0x7d: {  	_ =	shalt  }
0x7e: {  	_ =	shalt  }
0x7f: {  	_ =	shalt  }
0x80: {  	_ =	shalt  }
0x81: {  	_ =	shalt  }
0x82: {  	_ =	shalt  }
0x83: {  	_ =	shalt  }
0x84: {  	_ =	shalt  }
0x85: {  	_ =	shalt  }
0x86: {  	_ =	shalt  }
0x87: {  	_ =	shalt  }
.Lfunc_end0:
.L_simem_size_0:
called_computation_lowered:
.L_overlay_start_0:
0x88: {  	s2 =	sld [smem:$0x3FD9]  }
0x89: {  	s3 =	sld [smem:$0x3FFE];
	_ =	sdelay $0x1  }
0x8a: {  	s1 =	srdreg.scid  }
0x8b: {  	s0 =	sand.u32 $0x1, s1  }
0x8c: {  	s14 =	sshll.u32 s0, $0xA;
	s2 =	sadd.s32 s3, s2  }
0x8d: {  	s2 =	sadd.s32 s2, s14  }
0x8e: {  	[smem:$0x3FC5] =	sst s2  }
0x8f: {  	_ = 	snop  }
0x90: {  	s2 =	sld [smem:$0x3FD0];
	_ =	sdelay $0x1  }
0x91: {  	s15 =	sld [smem:$0x3FC9]  }
0x92: {  	s5 =	simm.s32 $0xA;
	s6 =	simm.s32 $0x10;
	s4 =	sld [smem:$0x3FC8]  }
0x93: {  	[smem:s6], [sflag:s5] =	dma.local [hbm:s2], $0x1  }
0x94: {  	_ =	swait.eq [sflag:s5], $0x1  }
0x95: {  	[sflag:s5] =	ssyncset.done $0x0  }
0x96: {  	s16 =	sld [smem:$0x10];
	[sflag:s5] =	ssyncadd.s32 $0xFFFFFFFF  }
0x97: {  	s17 =	sld [smem:$0x11];
	(tm) =	ssettm $0x1  }
0x98: {  	s18 =	sld [smem:$0x3FFB];
	_ =	sdelay $0x3  }
0x99: {  	_ =	strace s18  }
0x9a: {  	s6 =	sld [smem:$0x3FFC];
	_ =	sdelay $0x3  }
0x9b: {  	_ =	strace s6  }
0x9c: {  	s6 =	sld [smem:$0x3FFD];
	_ =	sdelay $0x3  }
0x9d: {  	_ =	strace s6  }
0x9e: {  	_ =	strace $0x8FFFFFFF  }
0x9f: {  	s19 =	sld [smem:$0x3FDB];
	_ =	sdelay $0x1  }
0xa0: {  	s7 =	simm.s32 $_scs_section_size  }
0xa1: {  	s8 =	simm.s32 $_size__tile_overlayer_lowered;
	s9 =	simm.s32 $_tile_overlayer_lowered  }
0xa2: {  	s22 =	simm.s32 $0x1BFF;
	s21 =	sshll.u32 s9, $0x1;
	s6 =	sadd.s32 s7, s19  }
0xa3: {  	s10 =	simm.s32 $0x0;
	s20 =	sshll.u32 s8, $0x1;
	s8 =	sadd.s32 s21, s6  }
0xa4: {  	[timem:s10], [sflag:s22] =	dma.local [hbm:s8], s20  }
0xa5: {  	_ =	swait.ge [sflag:s22], s20  }
0xa6: {  	s7 =	ssub.s32 $0x0, s20;
	[sflag:s22] =	ssyncset.done $0x0  }
0xa7: {  	[sflag:s22] =	ssyncadd.s32 s7;
	_ =	sdelay $0x1  }
0xa8: {  	s23 =	simm.s32 $0x1B8B  }
0xa9: {  	_ =	swait.ge [sflag:s23], $0x1  }
0xaa: {  	[sflag:s23] =	ssyncset.done $0x0  }
0xab: {  	s25 =	simm.s32 $0x1B8E;
	s24 =	sld [smem:$0x3FFE];
	[sflag:s23] =	ssyncadd.s32 $0xFFFFFFFF  }
0xac: {  	s26 =	simm.s32 $execute0_lowered;
	[smem:$0x3FD2] =	sst s25  }
0xad: {  	s8 =	sshll.u32 s26, $0x1;
	_ =	strace $0x80000046;
	[dreg:$0x1] =	wrdreg $0xFFFFFFFF  }
0xae: {  	s28 =	simm.s32 $_size_execute0_lowered;
	s6 =	sadd.s32 s6, s8;
	[dreg:$0x0] =	wrdreg $0x0  }
0xaf: {  	s8 =	sshll.u32 s28, $0x1;
	[dreg:$0x2] =	wrdreg s6  }
0xb0: {  	[dreg:$0x3] =	wrdreg s8  }
0xb1: {  	[dreg:$0x4] =	wrdreg $0xC0  }
0xb2: {  	_ =	task [dreg:s10], $0x5FFFF  }
0xb3: {  	[dreg:$0x1] =	wrdreg $0xFFFFFFFF  }
0xb4: {  	[dreg:$0x0] =	wrdreg $0x60  }
0xb5: {  	[dreg:$0x2] =	wrdreg s15  }
0xb6: {  	[dreg:$0x3] =	wrdreg s4  }
0xb7: {  	[dreg:$0x4] =	wrdreg s17  }
0xb8: {  	[dreg:$0x5] =	wrdreg s16  }
0xb9: {  	[dreg:$0x6] =	wrdreg s24  }
0xba: {  	[dreg:$0x7] =	wrdreg $0x9  }
0xbb: {  	_ =	task.clear_ibuf [dreg:s10], $0x8FFFF;
	_ =	strace $0x90000046  }
0xbc: {  	s29 =	simm.s32 $0x9;
	_ =	strace $0x80000048  }
0xbd: {  	_ =	swait.ge [sflag:s29], $0x1  }
0xbe: {  	[sflag:s29] =	ssyncadd.s32 $0xFFFFFFFF  }
0xbf: {  	_ =	strace $0x90000048  }
0xc0: {  	_ =	sfence  }
0xc1: {  	s30 =	sld [smem:$0x0];
	_ =	sdelay $0x2  }
0xc2: {  	s31 =	sshll.u32 s1, $0xD;
	s1 =	sshrl.u32 s1, $0x2  }
0xc3: {  	s3 =	sand.u32 $0x4000, s31;
	s1 =	sadd.s32 s1, s30  }
0xc4: {  	s0 =	sor.u32 s3, s0;
	s1 =	sshll.u32 s1, $0x11  }
0xc5: {  	s0 =	sor.u32 s1, s0  }
0xc6: {  	s0 =	sadd.s32 $0x8F2B, s0  }
0xc7: {  	[sflag:s0] =	ssyncadd.remote.s32 $0x1  }
0xc8: {  	_ =	sfence.sel $0xFFFF  }
0xc9: {  	[dreg:$0x0] =	wrdreg $0xFFFFFFFF;
	(pc) =	sbr.abs _section_cstart, $3  }
0xca: {  	[dreg:$0x1] =	wrdreg $0xFFFFFFFF  }
0xcb: {  	_ =	task.clear_ibuf [dreg:s10], $0x2FFFF;
	_ =	strace $0x9FFFFFFF  }
0xcc: {  	(tm) =	ssettm $0x7FFFFFFF  }
0xcd: {  	_ =	shalt  }
tec
execute0_lowered:
.L_overlay_start_1:
0x0: {  	(tag) =	ssettag $0x1  }
0x1: {  	s0 =	rddreg [dreg:$0x0];
	s1 =	srdreg.scid  }
0x2: {  	s2 =	rddreg [dreg:$0x1];
	s30 =	sand.u32 $0x1, s1  }
0x3: {  	s5 =	rddreg [dreg:$0x2];
	s1 =	stileid.u32;
	s3 =	sshll.u32 s30, $0x4  }
0x4: {  	s23 =	rddreg [dreg:$0x3];
	s24 =	sor.u32 s1, s3  }
0x5: {  	s29 =	rddreg [dreg:$0x4];
	s4 =	simm.s32 $0x0;
	s31 =	smul.u32 $0x28, s24  }
0x6: {  	[smem:$0x7FF] =	sst s4  }
0x7: {  	_ =	strace $0x80000047;
	s6 =	sadd.s32 s5, s31;
	s5 =	simm.s32 $0x3  }
0x8: {  	[tilespmem:s4], [sflag:$0x3] =	stream.linear.gather [hbm4b:s6+s4], $0x140, $0x38;
	[tilespmem:$0xA280] =	vst v63  }
0x9: {  	_ =	swait.ge [sflag:s5], $0x140  }
0xa: {  	[sflag:s5] =	ssyncset.done $0x0  }
0xb: {  	s7 =	simm.s32 $0x40;
	s8 =	simm.s32 $0x140;
	[sflag:s5] =	ssyncadd.s32 $0xFFFFFEC0  }
0xc: {  	[tilespmem:s8], [sflag:$0x1] =	stream.indirect.gather [hbm4b:s0+s7], $0x80, s4, s7, $0xb8;
	[tilespmem:$0xA280] =	vst v63  }
0xd: {  	s9 =	simm.s32 $0xA140  }
0xe: {  	[tilespmem:s9], [sflag:$0x2] =	stream.indirect.gather [hbm4b:s2+s7], $0x1, s4, s7, $0xb8;
	[tilespmem:$0xA280] =	vst v63  }
0xf: {  	s10 =	simm.s32 $0x2140  }
0x10: {  	[tilespmem:s10], [sflag:$0x1] =	stream.indirect.gather [hbm4b:s0+s7], $0x80, s7, s7, $0xb8;
	[tilespmem:$0xA280] =	vst v63  }
0x11: {  	s11 =	simm.s32 $0xA180  }
0x12: {  	[tilespmem:s11], [sflag:$0x2] =	stream.indirect.gather [hbm4b:s2+s7], $0x1, s7, s7, $0xb8;
	[tilespmem:$0xA280] =	vst v63  }
0x13: {  	s12 =	simm.s32 $0x80;
	s13 =	simm.s32 $0x4140  }
0x14: {  	[tilespmem:s13], [sflag:$0x1] =	stream.indirect.gather [hbm4b:s0+s7], $0x80, s12, s7, $0xb8;
	[tilespmem:$0xA280] =	vst v63  }
0x15: {  	s14 =	simm.s32 $0xA1C0  }
0x16: {  	[tilespmem:s14], [sflag:$0x2] =	stream.indirect.gather [hbm4b:s2+s7], $0x1, s12, s7, $0xb8;
	[tilespmem:$0xA280] =	vst v63  }
0x17: {  	s15 =	simm.s32 $0xC0;
	s16 =	simm.s32 $0x6140  }
0x18: {  	[tilespmem:s16], [sflag:$0x1] =	stream.indirect.gather [hbm4b:s0+s7], $0x80, s15, s7, $0xb8;
	[tilespmem:$0xA280] =	vst v63  }
0x19: {  	s17 =	simm.s32 $0xA200  }
0x1a: {  	[tilespmem:s17], [sflag:$0x2] =	stream.indirect.gather [hbm4b:s2+s7], $0x1, s15, s7, $0xb8;
	[tilespmem:$0xA280] =	vst v63  }
0x1b: {  	s18 =	simm.s32 $0x100;
	s19 =	simm.s32 $0x8140  }
0x1c: {  	[tilespmem:s19], [sflag:$0x1] =	stream.indirect.gather [hbm4b:s0+s7], $0x80, s18, s7, $0xb8;
	[tilespmem:$0xA280] =	vst v63  }
0x1d: {  	s20 =	simm.s32 $0xA240;
	s21 =	simm.s32 $0x1  }
0x1e: {  	[tilespmem:s20], [sflag:$0x2] =	stream.indirect.gather [hbm4b:s2+s7], $0x1, s18, s7, $0xb8;
	[tilespmem:$0xA280] =	vst v63  }
0x1f: {  	s22 =	smul.u32 $0x1400, s24;
	_ =	swait.ge [sflag:s21], $0x2000  }
0x20: {  	[sflag:s21] =	ssyncset.done $0x0  }
0x21: {  	s22 =	sadd.s32 s23, s22;
	[sflag:s21] =	ssyncadd.s32 $0xFFFFE000  }
0x22: {  	[hbm4b:s22+s4] =	stream.linear.scatter [tilespmem:s8], [sflag:$0x3], $0x2000, $0x38;
	[tilespmem:$0xA280] =	vst v63  }
0x23: {  	_ =	swait.ge [sflag:s5], $0x2000  }
0x24: {  	s24 =	smul.u32 $0xA000, s24;
	[sflag:s5] =	ssyncset.done $0x0  }
0x25: {  	[sflag:s5] =	ssyncadd.s32 $0xFFFFE000  }
0x26: {  	s24 =	sshrl.u32 s24, $0x3;
	_ =	swait.ge [sflag:s21], $0x2000  }
0x27: {  	s26 =	sadd.s32 s23, s24;
	[sflag:s21] =	ssyncset.done $0x0  }
0x28: {  	s23 =	sadd.s32 $0x400, s26;
	[sflag:s21] =	ssyncadd.s32 $0xFFFFE000  }
0x29: {  	[hbm4b:s23+s4] =	stream.linear.scatter [tilespmem:s10], [sflag:$0x3], $0x2000, $0x38;
	[tilespmem:$0xA280] =	vst v63  }
0x2a: {  	_ =	swait.ge [sflag:s5], $0x2000  }
0x2b: {  	[sflag:s5] =	ssyncset.done $0x0  }
0x2c: {  	[sflag:s5] =	ssyncadd.s32 $0xFFFFE000  }
0x2d: {  	_ =	swait.ge [sflag:s21], $0x2000  }
0x2e: {  	[sflag:s21] =	ssyncset.done $0x0  }
0x2f: {  	s24 =	sadd.s32 $0x800, s26;
	[sflag:s21] =	ssyncadd.s32 $0xFFFFE000  }
0x30: {  	[hbm4b:s24+s4] =	stream.linear.scatter [tilespmem:s13], [sflag:$0x3], $0x2000, $0x38;
	[tilespmem:$0xA280] =	vst v63  }
0x31: {  	_ =	swait.ge [sflag:s5], $0x2000  }
0x32: {  	[sflag:s5] =	ssyncset.done $0x0  }
0x33: {  	[sflag:s5] =	ssyncadd.s32 $0xFFFFE000  }
0x34: {  	_ =	swait.ge [sflag:s21], $0x2000  }
0x35: {  	[sflag:s21] =	ssyncset.done $0x0  }
0x36: {  	s25 =	sadd.s32 $0xC00, s26;
	[sflag:s21] =	ssyncadd.s32 $0xFFFFE000  }
0x37: {  	[hbm4b:s25+s4] =	stream.linear.scatter [tilespmem:s16], [sflag:$0x3], $0x2000, $0x38;
	[tilespmem:$0xA280] =	vst v63  }
0x38: {  	_ =	swait.ge [sflag:s5], $0x2000  }
0x39: {  	[sflag:s5] =	ssyncset.done $0x0  }
0x3a: {  	[sflag:s5] =	ssyncadd.s32 $0xFFFFE000  }
0x3b: {  	_ =	swait.ge [sflag:s21], $0x2000  }
0x3c: {  	[sflag:s21] =	ssyncset.done $0x0  }
0x3d: {  	s26 =	sadd.s32 $0x1000, s26;
	[sflag:s21] =	ssyncadd.s32 $0xFFFFE000  }
0x3e: {  	[hbm4b:s26+s4] =	stream.linear.scatter [tilespmem:s19], [sflag:$0x3], $0x2000, $0x38;
	[tilespmem:$0xA280] =	vst v63  }
0x3f: {  	_ =	swait.ge [sflag:s5], $0x2000  }
0x40: {  	[sflag:s5] =	ssyncset.done $0x0  }
0x41: {  	s28 =	simm.s32 $0x2;
	[sflag:s5] =	ssyncadd.s32 $0xFFFFE000  }
0x42: {  	_ =	swait.ge [sflag:s28], $0x40  }
0x43: {  	[sflag:s28] =	ssyncset.done $0x0  }
0x44: {  	[sflag:s28] =	ssyncadd.s32 $0xFFFFFFC0  }
0x45: {  	_ =	swait.ge [sflag:s28], $0x40  }
0x46: {  	[sflag:s28] =	ssyncset.done $0x0  }
0x47: {  	[sflag:s28] =	ssyncadd.s32 $0xFFFFFFC0  }
0x48: {  	_ =	swait.ge [sflag:s28], $0x40  }
0x49: {  	[sflag:s28] =	ssyncset.done $0x0  }
0x4a: {  	s30 =	ssub.s32 $0x2, s30;
	[sflag:s28] =	ssyncadd.s32 $0xFFFFFFC0  }
0x4b: {  	s3 =	sshrl.u32 s30, $0x1;
	_ =	swait.ge [sflag:s28], $0x40  }
0x4c: {  	s3 =	ssub.s32 s30, s3;
	[sflag:s28] =	ssyncset.done $0x0  }
0x4d: {  	s3 =	smax.u32 s3, $0x1;
	[sflag:s28] =	ssyncadd.s32 $0xFFFFFFC0  }
0x4e: {  	p0 =	sne.s32 s3, $0x1;
	_ =	swait.ge [sflag:s28], $0x40  }
.Ltmp0:
0x4f: {  	s29 =	sadd.s32 s31, s29;
	[sflag:s28] =	ssyncset.done $0x0;
	(pc) =	sbr.rel @!p0 .LBB2_2-.Ltmp0, $4  }
0x50: {  	s29 =	sadd.s32 $0x800, s29;
	[sflag:s28] =	ssyncadd.s32 $0xFFFFFFC0  }
0x51: {  	[hbm4b:s29+s4] =	stream.linear.scatter [tilespmem:s9], [sflag:$0x3], $0x140, $0x38;
	[tilespmem:$0xA280] =	vst v63  }
0x52: {  	_ =	swait.ge [sflag:s5], $0x140  }
0x53: {  	s30 =	sadd.s32 $0xFFFFFFFF, s3;
	[sflag:s5] =	ssyncset.done $0x0  }
.LBB2_1:
0x54: {  	p0 =	sne.s32 s30, $0x1;
	s30 =	sadd.s32 $0xFFFFFFFF, s30;
	[sflag:s5] =	ssyncadd.s32 $0xFFFFFEC0  }
0x55: {  	[tilespmem:s4], [sflag:$0x3] =	stream.linear.gather [hbm4b:s6+s4], $0x140, $0x38;
	[tilespmem:$0xA280] =	vst v63  }
0x56: {  	_ =	swait.ge [sflag:s5], $0x140  }
0x57: {  	[sflag:s5] =	ssyncset.done $0x0  }
0x58: {  	[sflag:s5] =	ssyncadd.s32 $0xFFFFFEC0  }
0x59: {  	[tilespmem:s8], [sflag:$0x1] =	stream.indirect.gather [hbm4b:s0+s7], $0x80, s4, s7, $0xb8;
	[tilespmem:$0xA280] =	vst v63  }
0x5a: {  	_ = 	snop  }
0x5b: {  	[tilespmem:s9], [sflag:$0x2] =	stream.indirect.gather [hbm4b:s2+s7], $0x1, s4, s7, $0xb8;
	[tilespmem:$0xA280] =	vst v63  }
0x5c: {  	_ = 	snop  }
0x5d: {  	[tilespmem:s10], [sflag:$0x1] =	stream.indirect.gather [hbm4b:s0+s7], $0x80, s7, s7, $0xb8;
	[tilespmem:$0xA280] =	vst v63  }
0x5e: {  	_ = 	snop  }
0x5f: {  	[tilespmem:s11], [sflag:$0x2] =	stream.indirect.gather [hbm4b:s2+s7], $0x1, s7, s7, $0xb8;
	[tilespmem:$0xA280] =	vst v63  }
0x60: {  	_ = 	snop  }
0x61: {  	[tilespmem:s13], [sflag:$0x1] =	stream.indirect.gather [hbm4b:s0+s7], $0x80, s12, s7, $0xb8;
	[tilespmem:$0xA280] =	vst v63  }
0x62: {  	_ = 	snop  }
0x63: {  	[tilespmem:s14], [sflag:$0x2] =	stream.indirect.gather [hbm4b:s2+s7], $0x1, s12, s7, $0xb8;
	[tilespmem:$0xA280] =	vst v63  }
0x64: {  	_ = 	snop  }
0x65: {  	[tilespmem:s16], [sflag:$0x1] =	stream.indirect.gather [hbm4b:s0+s7], $0x80, s15, s7, $0xb8;
	[tilespmem:$0xA280] =	vst v63  }
0x66: {  	_ = 	snop  }
0x67: {  	[tilespmem:s17], [sflag:$0x2] =	stream.indirect.gather [hbm4b:s2+s7], $0x1, s15, s7, $0xb8;
	[tilespmem:$0xA280] =	vst v63  }
0x68: {  	_ = 	snop  }
0x69: {  	[tilespmem:s19], [sflag:$0x1] =	stream.indirect.gather [hbm4b:s0+s7], $0x80, s18, s7, $0xb8;
	[tilespmem:$0xA280] =	vst v63  }
0x6a: {  	_ = 	snop  }
0x6b: {  	[tilespmem:s20], [sflag:$0x2] =	stream.indirect.gather [hbm4b:s2+s7], $0x1, s18, s7, $0xb8;
	[tilespmem:$0xA280] =	vst v63  }
0x6c: {  	_ =	swait.ge [sflag:s21], $0x2000  }
0x6d: {  	[sflag:s21] =	ssyncset.done $0x0  }
0x6e: {  	[sflag:s21] =	ssyncadd.s32 $0xFFFFE000  }
0x6f: {  	[hbm4b:s22+s4] =	stream.linear.scatter [tilespmem:s8], [sflag:$0x3], $0x2000, $0x38;
	[tilespmem:$0xA280] =	vst v63  }
0x70: {  	_ =	swait.ge [sflag:s5], $0x2000  }
0x71: {  	[sflag:s5] =	ssyncset.done $0x0  }
0x72: {  	[sflag:s5] =	ssyncadd.s32 $0xFFFFE000  }
0x73: {  	_ =	swait.ge [sflag:s21], $0x2000  }
0x74: {  	[sflag:s21] =	ssyncset.done $0x0  }
0x75: {  	[sflag:s21] =	ssyncadd.s32 $0xFFFFE000  }
0x76: {  	[hbm4b:s23+s4] =	stream.linear.scatter [tilespmem:s10], [sflag:$0x3], $0x2000, $0x38;
	[tilespmem:$0xA280] =	vst v63  }
0x77: {  	_ =	swait.ge [sflag:s5], $0x2000  }
0x78: {  	[sflag:s5] =	ssyncset.done $0x0  }
0x79: {  	[sflag:s5] =	ssyncadd.s32 $0xFFFFE000  }
0x7a: {  	_ =	swait.ge [sflag:s21], $0x2000  }
0x7b: {  	[sflag:s21] =	ssyncset.done $0x0  }
0x7c: {  	[sflag:s21] =	ssyncadd.s32 $0xFFFFE000  }
0x7d: {  	[hbm4b:s24+s4] =	stream.linear.scatter [tilespmem:s13], [sflag:$0x3], $0x2000, $0x38;
	[tilespmem:$0xA280] =	vst v63  }
0x7e: {  	_ =	swait.ge [sflag:s5], $0x2000  }
0x7f: {  	[sflag:s5] =	ssyncset.done $0x0  }
0x80: {  	[sflag:s5] =	ssyncadd.s32 $0xFFFFE000  }
0x81: {  	_ =	swait.ge [sflag:s21], $0x2000  }
0x82: {  	[sflag:s21] =	ssyncset.done $0x0  }
0x83: {  	[sflag:s21] =	ssyncadd.s32 $0xFFFFE000  }
0x84: {  	[hbm4b:s25+s4] =	stream.linear.scatter [tilespmem:s16], [sflag:$0x3], $0x2000, $0x38;
	[tilespmem:$0xA280] =	vst v63  }
0x85: {  	_ =	swait.ge [sflag:s5], $0x2000  }
0x86: {  	[sflag:s5] =	ssyncset.done $0x0  }
0x87: {  	[sflag:s5] =	ssyncadd.s32 $0xFFFFE000  }
0x88: {  	_ =	swait.ge [sflag:s21], $0x2000  }
0x89: {  	[sflag:s21] =	ssyncset.done $0x0  }
0x8a: {  	[sflag:s21] =	ssyncadd.s32 $0xFFFFE000  }
0x8b: {  	[hbm4b:s26+s4] =	stream.linear.scatter [tilespmem:s19], [sflag:$0x3], $0x2000, $0x38;
	[tilespmem:$0xA280] =	vst v63  }
0x8c: {  	_ =	swait.ge [sflag:s5], $0x2000  }
0x8d: {  	[sflag:s5] =	ssyncset.done $0x0  }
0x8e: {  	[sflag:s5] =	ssyncadd.s32 $0xFFFFE000  }
0x8f: {  	_ =	swait.ge [sflag:s28], $0x40  }
0x90: {  	[sflag:s28] =	ssyncset.done $0x0  }
0x91: {  	[sflag:s28] =	ssyncadd.s32 $0xFFFFFFC0  }
0x92: {  	_ =	swait.ge [sflag:s28], $0x40  }
0x93: {  	[sflag:s28] =	ssyncset.done $0x0  }
0x94: {  	[sflag:s28] =	ssyncadd.s32 $0xFFFFFFC0  }
0x95: {  	_ =	swait.ge [sflag:s28], $0x40  }
0x96: {  	[sflag:s28] =	ssyncset.done $0x0  }
0x97: {  	[sflag:s28] =	ssyncadd.s32 $0xFFFFFFC0  }
0x98: {  	_ =	swait.ge [sflag:s28], $0x40  }
0x99: {  	[sflag:s28] =	ssyncset.done $0x0  }
0x9a: {  	[sflag:s28] =	ssyncadd.s32 $0xFFFFFFC0  }
0x9b: {  	_ =	swait.ge [sflag:s28], $0x40  }
.Ltmp1:
0x9c: {  	[sflag:s28] =	ssyncset.done $0x0;
	(pc) =	sbr.rel @p0 .LBB2_1-.Ltmp1, $4  }
0x9d: {  	[sflag:s28] =	ssyncadd.s32 $0xFFFFFFC0  }
0x9e: {  	[hbm4b:s29+s4] =	stream.linear.scatter [tilespmem:s9], [sflag:$0x3], $0x140, $0x38;
	[tilespmem:$0xA280] =	vst v63  }
0x9f: {  	_ =	swait.ge [sflag:s5], $0x140  }
0xa0: {  	[sflag:s5] =	ssyncset.done $0x0  }
.LBB2_2:
0xa1: {  	[sflag:s5] =	ssyncadd.s32 $0xFFFFFEC0  }
0xa2: {  	_ =	sfence.sel $0x180000  }
0xa3: {  	[bflag:$0x0] =	sbarrier.arrive $0xFFFF  }
0xa4: {  	_ =	strace $0x90000047  }
0xa5: {  	[bflag:$0x2] =	sbarrier.arrive $0xFFFF  }
0xa6: {  	p0 =	sne.s32 s1, $0x0;
	s0 =	rddreg [dreg:$0x5]  }
0xa7: {  	s0 =	sadd.s32 @!p0 $0x100000, s0  }
0xa8: {  	[sflag:s0] =	ssyncadd.tile.s32 @!p0 $0x1;
	_ =	shalt  }
.Lfunc_end2:
_tile_overlayer_lowered:
.L_overlay_start_2:
0xa9: {  	(tag) =	ssettag $0x2  }
0xaa: {  	s0 =	rddreg [dreg:$0x0];
	s2 =	stileid.u32  }
0xab: {  	s1 =	rddreg [dreg:$0x1];
	p0 =	sne.s32 s2, $0x0  }
0xac: {  	s3 =	rddreg [dreg:$0x2];
	[bflag:$0x3] =	sbarrier.arrive $0xFFFF;
	s2 =	simm.s32 @!p0 $0x1C03  }
0xad: {  	[timem:s3], [sflag:s2] =	dma.local @!p0 [hbm:s0], s1  }
0xae: {  	s0 =	simm.s32 @!p0 $0x3  }
0xaf: {  	_ =	swait.ge @!p0 [sflag:s0], s1  }
0xb0: {  	s1 =	ssub.s32 @!p0 $0x0, s1;
	[sflag:s0] =	ssyncset.done @!p0 $0x0  }
0xb1: {  	[sflag:s0] =	ssyncadd.s32 @!p0 s1  }
0xb2: {  	[bflag:$0x3] =	sbarrier.arrive $0xFFFF  }
0xb3: {  	_ =	shalt  }

</sc_bundles>
